<compile_context>
chip_gen: v7x
topology: tpu7x:2x2x1
jax: 0.10.2.dev20260603
libtpu: 0.0.44.dev20260713+nightly
codegen_flags: <defaults>
</compile_context>

<pallas_src>
import functools

import jax
import jax.numpy as jnp
from jax import lax
from jax.experimental import pallas as pl
from jax.experimental.pallas import tpu as pltpu
from jax.experimental.pallas import tpu_sc as plsc

_B = 16384
_D = 128
_NC = 2
_NS = 16
_NW = _NC * _NS
_BPW = _B // _NW

_GCH = [(0, 256), (256, 256)]
_WCH = [(0, 256), (256, 128), (384, 64), (448, 64)]
_UNROLL = 2


def _rsqrt16(x):
    i = lax.bitcast_convert_type(x, jnp.int32)
    i = jnp.full((16,), 0x5F3759DF, jnp.int32) - lax.shift_right_arithmetic(
        i, jnp.full((16,), 1, jnp.int32))
    y = lax.bitcast_convert_type(i, jnp.float32)
    for _ in range(2):
        y = y * (1.5 - 0.5 * x * y * y)
    return y


def _body(nodes_hbm, table_hbm, out_hbm, idx_v, rows_v, gsems, osem):
    wid = lax.axis_index("s") * _NC + lax.axis_index("c")
    base = wid * _BPW
    gathers = []
    for i, (g0, gn) in enumerate(_GCH):
        pltpu.sync_copy(
            nodes_hbm.at[pl.ds(base + g0, gn)], idx_v.at[pl.ds(g0, gn)]
        )
        gathers.append(
            pltpu.async_copy(
                table_hbm.at[idx_v.at[pl.ds(g0, gn)]],
                rows_v.at[pl.ds(g0, gn)],
                gsems[i],
            )
        )
    outs = []
    for w0, wn in _WCH:
        need = w0 + wn
        for i, (g0, gn) in enumerate(_GCH):
            if gathers[i] is not None and g0 < need and g0 + gn > w0:
                gathers[i].wait()
                gathers[i] = None

        @plsc.parallel_loop(w0, w0 + wn, step=1, unroll=_UNROLL)
        def _row(r):
            vs = [rows_v[r, pl.ds(j * 16, 16)] for j in range(_D // 16)]
            a0 = vs[0] * vs[0]
            a1 = vs[1] * vs[1]
            for j in range(2, _D // 16, 2):
                a0 = vs[j] * vs[j] + a0
                a1 = vs[j + 1] * vs[j + 1] + a1
            ss = jnp.full((16,), 0, jnp.float32) + jnp.sum(a0 + a1)
            inv = _rsqrt16(jnp.maximum(ss, 1e-24))
            for j, v in enumerate(vs):
                rows_v[r, pl.ds(j * 16, 16)] = v * inv

        outs.append(
            pltpu.async_copy(
                rows_v.at[pl.ds(w0, wn)],
                out_hbm.at[pl.ds(base + w0, wn)],
                osem,
            )
        )
    for o in outs:
        o.wait()


@jax.jit
def kernel(nodes, emb_table):
    mesh = plsc.VectorSubcoreMesh(core_axis_name="c", subcore_axis_name="s")
    run = functools.partial(
        pl.kernel,
        out_type=jax.ShapeDtypeStruct((_B, _D), jnp.float32),
        mesh=mesh,
        compiler_params=pltpu.CompilerParams(needs_layout_passes=False),
        scratch_types=[
            pltpu.VMEM((_BPW,), jnp.int32),
            pltpu.VMEM((_BPW, _D), jnp.float32),
            [pltpu.SemaphoreType.DMA] * len(_GCH),
            pltpu.SemaphoreType.DMA,
        ],
    )(_body)
    return run(nodes, emb_table)

# --- scband reference (transcript-rebuilt; emitter-appended) ---
"""Pipeline reference for scband-pale-embedding-47931835023844 (READ-ONLY COPY).

The authoritative reference and input builder live on the scoring server;
editing this copy changes nothing except your own understanding.
"""

import jax, jax.numpy as jnp
import numpy as np

N_NODES = 100000
EMBED_DIM = 128
BATCH = 16384


def setup_inputs(seed: int = 0) -> dict:
    key = jax.random.key(seed)
    k1, k2 = jax.random.split(key)
    nodes = jax.random.randint(k1, (BATCH,), 0, N_NODES, dtype=jnp.int32)
    # nn.Embedding default init: N(0, 1)
    emb_table = jax.random.normal(k2, (N_NODES, EMBED_DIM), dtype=jnp.float32)
    return {"nodes": nodes, "emb_table": emb_table}


def reference(nodes, emb_table):
    # forward(nodes, neighbor_nodes=None):
    #   node_output = self.node_embedding(nodes)
    #   node_output = F.normalize(node_output, dim=1)
    node_output = jnp.take(emb_table, nodes, axis=0)
    # F.normalize: x / max(||x||_2, eps), eps=1e-12
    norm = jnp.linalg.norm(node_output, axis=1, keepdims=True)
    node_output = node_output / jnp.maximum(norm, 1e-12)
    return node_output

if __name__ == "__main__":
    import jax
    _d = setup_inputs()
    print(jax.jit(kernel)(*tuple(_d.values())))

</pallas_src>

<mosaic_0001>
#map = affine_map<(d0, d1) -> (0)>
#map1 = affine_map<(d0, d1) -> (0, 0)>
module attributes {stable_mosaic.version = 14 : i64} {
  func.func @_body(%arg0: i32, %arg1: i32, %arg2: memref<16384xi32, #tpu.memory_space<hbm>>, %arg3: memref<100000x128xf32, #tpu.memory_space<hbm>>, %arg4: memref<16384x128xf32, #tpu.memory_space<hbm>>, %arg5: memref<512xi32, #tpu.memory_space<vmem>>, %arg6: memref<512x128xf32, #tpu.memory_space<vmem>>, %arg7: memref<!tpu.dma_semaphore, #tpu.memory_space<semaphore_mem>>, %arg8: memref<!tpu.dma_semaphore, #tpu.memory_space<semaphore_mem>>, %arg9: memref<!tpu.dma_semaphore, #tpu.memory_space<semaphore_mem>>) attributes {dimension_semantics = [#tpu.dimension_semantics<core_parallel>, #tpu.dimension_semantics<subcore_parallel>], iteration_bounds = array<i64: 2, 16>, scalar_prefetch = 0 : i64, scratch_operands = 5 : i64, tpu.core_type = #tpu.core_type<sc_vector_subcore>, window_params = [{transform_indices = #map}, {transform_indices = #map1}, {transform_indices = #map1}]} {
    %mul3A = arith.constant 2 : i32
    %mul3A_0 = arith.muli %arg1, %mul3A : i32
    %add3A = arith.addi %mul3A_0, %arg0 : i32
    %mul3A_1 = arith.constant 512 : i32
    %mul3A_2 = arith.muli %add3A, %mul3A_1 : i32
    %add3A_3 = arith.constant 0 : i32
    %add3A_4 = arith.addi %mul3A_2, %add3A_3 : i32
    "tpu.region"() ({
      %run_scoped3A = tpu.sem_alloc : memref<!tpu.dma_semaphore, #tpu.memory_space<semaphore_mem>>
      %dma_start3A_136 = arith.constant 0 : i32
      %dma_start3A_137 = tpu.memref_slice %arg5[%dma_start3A_136] : memref<512xi32, #tpu.memory_space<vmem>> -> memref<256xi32, #tpu.memory_space<vmem>>
      %dma_start3A_138 = tpu.memref_slice %arg2[%add3A_4] : memref<16384xi32, #tpu.memory_space<hbm>> -> memref<256xi32, #tpu.memory_space<hbm>>
      %dma_start3A_139 = arith.constant 0 : i32
      %dma_start3A_140 = tpu.memref_slice %arg5[%dma_start3A_139] : memref<512xi32, #tpu.memory_space<vmem>> -> memref<256xi32, #tpu.memory_space<vmem>>
      %dma_start3A_141 = tpu.memref_slice %arg2[%add3A_4] : memref<16384xi32, #tpu.memory_space<hbm>> -> memref<256xi32, #tpu.memory_space<hbm>>
      tpu.enqueue_dma source(%dma_start3A_141 : memref<256xi32, #tpu.memory_space<hbm>>) target(%dma_start3A_140 : memref<256xi32, #tpu.memory_space<vmem>>) target_semaphore(%run_scoped3A : memref<!tpu.dma_semaphore, #tpu.memory_space<semaphore_mem>>)
      %dma_wait3A_142 = arith.constant 0 : i32
      %dma_wait3A_143 = tpu.memref_slice %arg5[%dma_wait3A_142] : memref<512xi32, #tpu.memory_space<vmem>> -> memref<256xi32, #tpu.memory_space<vmem>>
      %dma_wait3A_144 = tpu.memref_slice %arg2[%add3A_4] : memref<16384xi32, #tpu.memory_space<hbm>> -> memref<256xi32, #tpu.memory_space<hbm>>
      %dma_wait3A_145 = arith.constant 0 : i32
      %dma_wait3A_146 = tpu.memref_slice %arg5[%dma_wait3A_145] : memref<512xi32, #tpu.memory_space<vmem>> -> memref<256xi32, #tpu.memory_space<vmem>>
      %dma_wait3A_147 = tpu.memref_slice %arg2[%add3A_4] : memref<16384xi32, #tpu.memory_space<hbm>> -> memref<256xi32, #tpu.memory_space<hbm>>
      tpu.wait_dma2 semaphore(%run_scoped3A : memref<!tpu.dma_semaphore, #tpu.memory_space<semaphore_mem>>) src(%dma_wait3A_147 : memref<256xi32, #tpu.memory_space<hbm>>) dst(%dma_wait3A_146 : memref<256xi32, #tpu.memory_space<vmem>>)
      tpu.yield
    }) : () -> ()
    %dma_start3A = arith.constant 0 : i32
    %dma_start3A_5 = arith.constant 0 : i32
    %dma_start3A_6 = tpu.memref_slice %arg6[%dma_start3A, %dma_start3A_5] : memref<512x128xf32, #tpu.memory_space<vmem>> -> memref<256x128xf32, #tpu.memory_space<vmem>>
    %dma_start3A_7 = arith.constant 0 : i32
    %dma_start3A_8 = tpu.memref_slice %arg5[%dma_start3A_7] : memref<512xi32, #tpu.memory_space<vmem>> -> memref<256xi32, #tpu.memory_space<vmem>>
    %dma_start3A_9 = arith.constant 0 : i32
    %dma_start3A_10 = arith.constant 0 : i32
    %dma_start3A_11 = tpu.memref_slice %arg3[%dma_start3A_9, %dma_start3A_10] : memref<100000x128xf32, #tpu.memory_space<hbm>> -> memref<100000x128xf32, #tpu.memory_space<hbm>>
    tpu.enqueue_indirect_dma source(%dma_start3A_11 : memref<100000x128xf32, #tpu.memory_space<hbm>>) target(%dma_start3A_6 : memref<256x128xf32, #tpu.memory_space<vmem>>) offsets(%dma_start3A_8 : memref<256xi32, #tpu.memory_space<vmem>>) semaphore(%arg7 : memref<!tpu.dma_semaphore, #tpu.memory_space<semaphore_mem>>)
    %add3A_12 = arith.constant 256 : i32
    %add3A_13 = arith.addi %mul3A_2, %add3A_12 : i32
    "tpu.region"() ({
      %run_scoped3A = tpu.sem_alloc : memref<!tpu.dma_semaphore, #tpu.memory_space<semaphore_mem>>
      %dma_start3A_136 = arith.constant 256 : i32
      %dma_start3A_137 = tpu.memref_slice %arg5[%dma_start3A_136] : memref<512xi32, #tpu.memory_space<vmem>> -> memref<256xi32, #tpu.memory_space<vmem>>
      %dma_start3A_138 = tpu.memref_slice %arg2[%add3A_13] : memref<16384xi32, #tpu.memory_space<hbm>> -> memref<256xi32, #tpu.memory_space<hbm>>
      %dma_start3A_139 = arith.constant 256 : i32
      %dma_start3A_140 = tpu.memref_slice %arg5[%dma_start3A_139] : memref<512xi32, #tpu.memory_space<vmem>> -> memref<256xi32, #tpu.memory_space<vmem>>
      %dma_start3A_141 = tpu.memref_slice %arg2[%add3A_13] : memref<16384xi32, #tpu.memory_space<hbm>> -> memref<256xi32, #tpu.memory_space<hbm>>
      tpu.enqueue_dma source(%dma_start3A_141 : memref<256xi32, #tpu.memory_space<hbm>>) target(%dma_start3A_140 : memref<256xi32, #tpu.memory_space<vmem>>) target_semaphore(%run_scoped3A : memref<!tpu.dma_semaphore, #tpu.memory_space<semaphore_mem>>)
      %dma_wait3A_142 = arith.constant 256 : i32
      %dma_wait3A_143 = tpu.memref_slice %arg5[%dma_wait3A_142] : memref<512xi32, #tpu.memory_space<vmem>> -> memref<256xi32, #tpu.memory_space<vmem>>
      %dma_wait3A_144 = tpu.memref_slice %arg2[%add3A_13] : memref<16384xi32, #tpu.memory_space<hbm>> -> memref<256xi32, #tpu.memory_space<hbm>>
      %dma_wait3A_145 = arith.constant 256 : i32
      %dma_wait3A_146 = tpu.memref_slice %arg5[%dma_wait3A_145] : memref<512xi32, #tpu.memory_space<vmem>> -> memref<256xi32, #tpu.memory_space<vmem>>
      %dma_wait3A_147 = tpu.memref_slice %arg2[%add3A_13] : memref<16384xi32, #tpu.memory_space<hbm>> -> memref<256xi32, #tpu.memory_space<hbm>>
      tpu.wait_dma2 semaphore(%run_scoped3A : memref<!tpu.dma_semaphore, #tpu.memory_space<semaphore_mem>>) src(%dma_wait3A_147 : memref<256xi32, #tpu.memory_space<hbm>>) dst(%dma_wait3A_146 : memref<256xi32, #tpu.memory_space<vmem>>)
      tpu.yield
    }) : () -> ()
    %dma_start3A_14 = arith.constant 256 : i32
    %dma_start3A_15 = arith.constant 0 : i32
    %dma_start3A_16 = tpu.memref_slice %arg6[%dma_start3A_14, %dma_start3A_15] : memref<512x128xf32, #tpu.memory_space<vmem>> -> memref<256x128xf32, #tpu.memory_space<vmem>>
    %dma_start3A_17 = arith.constant 256 : i32
    %dma_start3A_18 = tpu.memref_slice %arg5[%dma_start3A_17] : memref<512xi32, #tpu.memory_space<vmem>> -> memref<256xi32, #tpu.memory_space<vmem>>
    %dma_start3A_19 = arith.constant 0 : i32
    %dma_start3A_20 = arith.constant 0 : i32
    %dma_start3A_21 = tpu.memref_slice %arg3[%dma_start3A_19, %dma_start3A_20] : memref<100000x128xf32, #tpu.memory_space<hbm>> -> memref<100000x128xf32, #tpu.memory_space<hbm>>
    tpu.enqueue_indirect_dma source(%dma_start3A_21 : memref<100000x128xf32, #tpu.memory_space<hbm>>) target(%dma_start3A_16 : memref<256x128xf32, #tpu.memory_space<vmem>>) offsets(%dma_start3A_18 : memref<256xi32, #tpu.memory_space<vmem>>) semaphore(%arg8 : memref<!tpu.dma_semaphore, #tpu.memory_space<semaphore_mem>>)
    %dma_wait3A = arith.constant 0 : i32
    %dma_wait3A_22 = arith.constant 0 : i32
    %dma_wait3A_23 = tpu.memref_slice %arg6[%dma_wait3A, %dma_wait3A_22] : memref<512x128xf32, #tpu.memory_space<vmem>> -> memref<256x128xf32, #tpu.memory_space<vmem>>
    %dma_wait3A_24 = arith.constant 0 : i32
    %dma_wait3A_25 = tpu.memref_slice %arg5[%dma_wait3A_24] : memref<512xi32, #tpu.memory_space<vmem>> -> memref<256xi32, #tpu.memory_space<vmem>>
    %dma_wait3A_26 = arith.constant 0 : i32
    %dma_wait3A_27 = arith.constant 0 : i32
    %dma_wait3A_28 = tpu.memref_slice %arg3[%dma_wait3A_26, %dma_wait3A_27] : memref<100000x128xf32, #tpu.memory_space<hbm>> -> memref<100000x128xf32, #tpu.memory_space<hbm>>
    tpu.wait_indirect_dma semaphore(%arg7 : memref<!tpu.dma_semaphore, #tpu.memory_space<semaphore_mem>>) src(%dma_wait3A_28 : memref<100000x128xf32, #tpu.memory_space<hbm>>) dst(%dma_wait3A_23 : memref<256x128xf32, #tpu.memory_space<vmem>>)
    %parallel_loop3A = arith.constant 0 : i32
    %parallel_loop3A_29 = arith.constant 256 : i32
    %parallel_loop3A_30 = arith.constant 1 : i32
    scf.for %parallel_loop3A_136 = %parallel_loop3A to %parallel_loop3A_29 step %parallel_loop3A_30  : i32 {
      %parallel_loop3A_137 = arith.index_cast %parallel_loop3A_136 : i32 to index
      %parallel_loop3A_138 = arith.constant 0 : index
      %parallel_loop3A_139 = tpu.vector_load %arg6[%parallel_loop3A_137, %parallel_loop3A_138] {strides = array<i32>} : memref<512x128xf32, #tpu.memory_space<vmem>>, vector<16xf32>,
      %parallel_loop3A_140 = arith.index_cast %parallel_loop3A_136 : i32 to index
      %parallel_loop3A_141 = arith.constant 16 : index
      %parallel_loop3A_142 = tpu.vector_load %arg6[%parallel_loop3A_140, %parallel_loop3A_141] {strides = array<i32>} : memref<512x128xf32, #tpu.memory_space<vmem>>, vector<16xf32>,
      %parallel_loop3A_143 = arith.index_cast %parallel_loop3A_136 : i32 to index
      %parallel_loop3A_144 = arith.constant 32 : index
      %parallel_loop3A_145 = tpu.vector_load %arg6[%parallel_loop3A_143, %parallel_loop3A_144] {strides = array<i32>} : memref<512x128xf32, #tpu.memory_space<vmem>>, vector<16xf32>,
      %parallel_loop3A_146 = arith.index_cast %parallel_loop3A_136 : i32 to index
      %parallel_loop3A_147 = arith.constant 48 : index
      %parallel_loop3A_148 = tpu.vector_load %arg6[%parallel_loop3A_146, %parallel_loop3A_147] {strides = array<i32>} : memref<512x128xf32, #tpu.memory_space<vmem>>, vector<16xf32>,
      %parallel_loop3A_149 = arith.index_cast %parallel_loop3A_136 : i32 to index
      %parallel_loop3A_150 = arith.constant 64 : index
      %parallel_loop3A_151 = tpu.vector_load %arg6[%parallel_loop3A_149, %parallel_loop3A_150] {strides = array<i32>} : memref<512x128xf32, #tpu.memory_space<vmem>>, vector<16xf32>,
      %parallel_loop3A_152 = arith.index_cast %parallel_loop3A_136 : i32 to index
      %parallel_loop3A_153 = arith.constant 80 : index
      %parallel_loop3A_154 = tpu.vector_load %arg6[%parallel_loop3A_152, %parallel_loop3A_153] {strides = array<i32>} : memref<512x128xf32, #tpu.memory_space<vmem>>, vector<16xf32>,
      %parallel_loop3A_155 = arith.index_cast %parallel_loop3A_136 : i32 to index
      %parallel_loop3A_156 = arith.constant 96 : index
      %parallel_loop3A_157 = tpu.vector_load %arg6[%parallel_loop3A_155, %parallel_loop3A_156] {strides = array<i32>} : memref<512x128xf32, #tpu.memory_space<vmem>>, vector<16xf32>,
      %parallel_loop3A_158 = arith.index_cast %parallel_loop3A_136 : i32 to index
      %parallel_loop3A_159 = arith.constant 112 : index
      %parallel_loop3A_160 = tpu.vector_load %arg6[%parallel_loop3A_158, %parallel_loop3A_159] {strides = array<i32>} : memref<512x128xf32, #tpu.memory_space<vmem>>, vector<16xf32>,
      %parallel_loop3A_161 = arith.mulf %parallel_loop3A_139, %parallel_loop3A_139 : vector<16xf32>
      %parallel_loop3A_162 = arith.mulf %parallel_loop3A_142, %parallel_loop3A_142 : vector<16xf32>
      %parallel_loop3A_163 = arith.mulf %parallel_loop3A_145, %parallel_loop3A_145 : vector<16xf32>
      %parallel_loop3A_164 = arith.addf %parallel_loop3A_163, %parallel_loop3A_161 : vector<16xf32>
      %parallel_loop3A_165 = arith.mulf %parallel_loop3A_148, %parallel_loop3A_148 : vector<16xf32>
      %parallel_loop3A_166 = arith.addf %parallel_loop3A_165, %parallel_loop3A_162 : vector<16xf32>
      %parallel_loop3A_167 = arith.mulf %parallel_loop3A_151, %parallel_loop3A_151 : vector<16xf32>
      %parallel_loop3A_168 = arith.addf %parallel_loop3A_167, %parallel_loop3A_164 : vector<16xf32>
      %parallel_loop3A_169 = arith.mulf %parallel_loop3A_154, %parallel_loop3A_154 : vector<16xf32>
      %parallel_loop3A_170 = arith.addf %parallel_loop3A_169, %parallel_loop3A_166 : vector<16xf32>
      %parallel_loop3A_171 = arith.mulf %parallel_loop3A_157, %parallel_loop3A_157 : vector<16xf32>
      %parallel_loop3A_172 = arith.addf %parallel_loop3A_171, %parallel_loop3A_168 : vector<16xf32>
      %parallel_loop3A_173 = arith.mulf %parallel_loop3A_160, %parallel_loop3A_160 : vector<16xf32>
      %parallel_loop3A_174 = arith.addf %parallel_loop3A_173, %parallel_loop3A_170 : vector<16xf32>
      %parallel_loop3A_175 = arith.constant 0.000000e+00 : f32
      %parallel_loop3A_176 = vector.broadcast %parallel_loop3A_175 : f32 to vector<16xf32>
      %parallel_loop3A_177 = arith.addf %parallel_loop3A_172, %parallel_loop3A_174 : vector<16xf32>
      %parallel_loop3A_178 = arith.constant true
      %parallel_loop3A_179 = vector.broadcast %parallel_loop3A_178 : i1 to vector<16xi1>
      %parallel_loop3A_180 = tpu.scan <sum>, %parallel_loop3A_177 masked %parallel_loop3A_179 : vector<16xf32>, vector<16xi1> -> vector<16xf32>
      %parallel_loop3A_181 = vector.extract %parallel_loop3A_180[15] : f32 from vector<16xf32>
      %parallel_loop3A_182 = vector.broadcast %parallel_loop3A_181 : f32 to vector<16xf32>
      %parallel_loop3A_183 = arith.addf %parallel_loop3A_176, %parallel_loop3A_182 : vector<16xf32>
      %parallel_loop3A_184 = arith.constant 1.000000e-24 : f32
      %parallel_loop3A_185 = vector.broadcast %parallel_loop3A_184 : f32 to vector<16xf32>
      %parallel_loop3A_186 = arith.maximumf %parallel_loop3A_183, %parallel_loop3A_185 : vector<16xf32>
      %parallel_loop3A_187 = tpu.bitcast %parallel_loop3A_186 : vector<16xf32> -> vector<16xi32>
      %parallel_loop3A_188 = arith.constant 1597463007 : i32
      %parallel_loop3A_189 = vector.broadcast %parallel_loop3A_188 : i32 to vector<16xi32>
      %parallel_loop3A_190 = arith.constant 1 : i32
      %parallel_loop3A_191 = vector.broadcast %parallel_loop3A_190 : i32 to vector<16xi32>
      %parallel_loop3A_192 = arith.shrsi %parallel_loop3A_187, %parallel_loop3A_191 : vector<16xi32>
      %parallel_loop3A_193 = arith.subi %parallel_loop3A_189, %parallel_loop3A_192 : vector<16xi32>
      %parallel_loop3A_194 = tpu.bitcast %parallel_loop3A_193 : vector<16xi32> -> vector<16xf32>
      %parallel_loop3A_195 = arith.constant 5.000000e-01 : f32
      %parallel_loop3A_196 = vector.broadcast %parallel_loop3A_195 : f32 to vector<16xf32>
      %parallel_loop3A_197 = arith.mulf %parallel_loop3A_196, %parallel_loop3A_186 : vector<16xf32>
      %parallel_loop3A_198 = arith.mulf %parallel_loop3A_197, %parallel_loop3A_194 : vector<16xf32>
      %parallel_loop3A_199 = arith.mulf %parallel_loop3A_198, %parallel_loop3A_194 : vector<16xf32>
      %parallel_loop3A_200 = arith.constant 1.500000e+00 : f32
      %parallel_loop3A_201 = vector.broadcast %parallel_loop3A_200 : f32 to vector<16xf32>
      %parallel_loop3A_202 = arith.subf %parallel_loop3A_201, %parallel_loop3A_199 : vector<16xf32>
      %parallel_loop3A_203 = arith.mulf %parallel_loop3A_194, %parallel_loop3A_202 : vector<16xf32>
      %parallel_loop3A_204 = arith.constant 5.000000e-01 : f32
      %parallel_loop3A_205 = vector.broadcast %parallel_loop3A_204 : f32 to vector<16xf32>
      %parallel_loop3A_206 = arith.mulf %parallel_loop3A_205, %parallel_loop3A_186 : vector<16xf32>
      %parallel_loop3A_207 = arith.mulf %parallel_loop3A_206, %parallel_loop3A_203 : vector<16xf32>
      %parallel_loop3A_208 = arith.mulf %parallel_loop3A_207, %parallel_loop3A_203 : vector<16xf32>
      %parallel_loop3A_209 = arith.constant 1.500000e+00 : f32
      %parallel_loop3A_210 = vector.broadcast %parallel_loop3A_209 : f32 to vector<16xf32>
      %parallel_loop3A_211 = arith.subf %parallel_loop3A_210, %parallel_loop3A_208 : vector<16xf32>
      %parallel_loop3A_212 = arith.mulf %parallel_loop3A_203, %parallel_loop3A_211 : vector<16xf32>
      %parallel_loop3A_213 = arith.mulf %parallel_loop3A_139, %parallel_loop3A_212 : vector<16xf32>
      %parallel_loop3A_214 = arith.index_cast %parallel_loop3A_136 : i32 to index
      %parallel_loop3A_215 = arith.constant 0 : index
      %parallel_loop3A_216 = tpu.vector_load %arg6[%parallel_loop3A_214, %parallel_loop3A_215] {strides = array<i32>} : memref<512x128xf32, #tpu.memory_space<vmem>>, vector<16xf32>,
      tpu.vector_store %arg6[%parallel_loop3A_214, %parallel_loop3A_215], %parallel_loop3A_213 {strides = array<i32>} : memref<512x128xf32, #tpu.memory_space<vmem>>, vector<16xf32>,
      %parallel_loop3A_217 = arith.mulf %parallel_loop3A_142, %parallel_loop3A_212 : vector<16xf32>
      %parallel_loop3A_218 = arith.index_cast %parallel_loop3A_136 : i32 to index
      %parallel_loop3A_219 = arith.constant 16 : index
      %parallel_loop3A_220 = tpu.vector_load %arg6[%parallel_loop3A_218, %parallel_loop3A_219] {strides = array<i32>} : memref<512x128xf32, #tpu.memory_space<vmem>>, vector<16xf32>,
      tpu.vector_store %arg6[%parallel_loop3A_218, %parallel_loop3A_219], %parallel_loop3A_217 {strides = array<i32>} : memref<512x128xf32, #tpu.memory_space<vmem>>, vector<16xf32>,
      %parallel_loop3A_221 = arith.mulf %parallel_loop3A_145, %parallel_loop3A_212 : vector<16xf32>
      %parallel_loop3A_222 = arith.index_cast %parallel_loop3A_136 : i32 to index
      %parallel_loop3A_223 = arith.constant 32 : index
      %parallel_loop3A_224 = tpu.vector_load %arg6[%parallel_loop3A_222, %parallel_loop3A_223] {strides = array<i32>} : memref<512x128xf32, #tpu.memory_space<vmem>>, vector<16xf32>,
      tpu.vector_store %arg6[%parallel_loop3A_222, %parallel_loop3A_223], %parallel_loop3A_221 {strides = array<i32>} : memref<512x128xf32, #tpu.memory_space<vmem>>, vector<16xf32>,
      %parallel_loop3A_225 = arith.mulf %parallel_loop3A_148, %parallel_loop3A_212 : vector<16xf32>
      %parallel_loop3A_226 = arith.index_cast %parallel_loop3A_136 : i32 to index
      %parallel_loop3A_227 = arith.constant 48 : index
      %parallel_loop3A_228 = tpu.vector_load %arg6[%parallel_loop3A_226, %parallel_loop3A_227] {strides = array<i32>} : memref<512x128xf32, #tpu.memory_space<vmem>>, vector<16xf32>,
      tpu.vector_store %arg6[%parallel_loop3A_226, %parallel_loop3A_227], %parallel_loop3A_225 {strides = array<i32>} : memref<512x128xf32, #tpu.memory_space<vmem>>, vector<16xf32>,
      %parallel_loop3A_229 = arith.mulf %parallel_loop3A_151, %parallel_loop3A_212 : vector<16xf32>
      %parallel_loop3A_230 = arith.index_cast %parallel_loop3A_136 : i32 to index
      %parallel_loop3A_231 = arith.constant 64 : index
      %parallel_loop3A_232 = tpu.vector_load %arg6[%parallel_loop3A_230, %parallel_loop3A_231] {strides = array<i32>} : memref<512x128xf32, #tpu.memory_space<vmem>>, vector<16xf32>,
      tpu.vector_store %arg6[%parallel_loop3A_230, %parallel_loop3A_231], %parallel_loop3A_229 {strides = array<i32>} : memref<512x128xf32, #tpu.memory_space<vmem>>, vector<16xf32>,
      %parallel_loop3A_233 = arith.mulf %parallel_loop3A_154, %parallel_loop3A_212 : vector<16xf32>
      %parallel_loop3A_234 = arith.index_cast %parallel_loop3A_136 : i32 to index
      %parallel_loop3A_235 = arith.constant 80 : index
      %parallel_loop3A_236 = tpu.vector_load %arg6[%parallel_loop3A_234, %parallel_loop3A_235] {strides = array<i32>} : memref<512x128xf32, #tpu.memory_space<vmem>>, vector<16xf32>,
      tpu.vector_store %arg6[%parallel_loop3A_234, %parallel_loop3A_235], %parallel_loop3A_233 {strides = array<i32>} : memref<512x128xf32, #tpu.memory_space<vmem>>, vector<16xf32>,
      %parallel_loop3A_237 = arith.mulf %parallel_loop3A_157, %parallel_loop3A_212 : vector<16xf32>
      %parallel_loop3A_238 = arith.index_cast %parallel_loop3A_136 : i32 to index
      %parallel_loop3A_239 = arith.constant 96 : index
      %parallel_loop3A_240 = tpu.vector_load %arg6[%parallel_loop3A_238, %parallel_loop3A_239] {strides = array<i32>} : memref<512x128xf32, #tpu.memory_space<vmem>>, vector<16xf32>,
      tpu.vector_store %arg6[%parallel_loop3A_238, %parallel_loop3A_239], %parallel_loop3A_237 {strides = array<i32>} : memref<512x128xf32, #tpu.memory_space<vmem>>, vector<16xf32>,
      %parallel_loop3A_241 = arith.mulf %parallel_loop3A_160, %parallel_loop3A_212 : vector<16xf32>
      %parallel_loop3A_242 = arith.index_cast %parallel_loop3A_136 : i32 to index
      %parallel_loop3A_243 = arith.constant 112 : index
      %parallel_loop3A_244 = tpu.vector_load %arg6[%parallel_loop3A_242, %parallel_loop3A_243] {strides = array<i32>} : memref<512x128xf32, #tpu.memory_space<vmem>>, vector<16xf32>,
      tpu.vector_store %arg6[%parallel_loop3A_242, %parallel_loop3A_243], %parallel_loop3A_241 {strides = array<i32>} : memref<512x128xf32, #tpu.memory_space<vmem>>, vector<16xf32>,
    } {sc.loop_unroll_factor = 2 : i64, sc.parallel_access}
    %add3A_31 = arith.constant 0 : i32
    %add3A_32 = arith.addi %mul3A_2, %add3A_31 : i32
    %dma_start3A_33 = arith.constant 0 : i32
    %dma_start3A_34 = arith.constant 0 : i32
    %dma_start3A_35 = tpu.memref_slice %arg6[%dma_start3A_33, %dma_start3A_34] : memref<512x128xf32, #tpu.memory_space<vmem>> -> memref<256x128xf32, #tpu.memory_space<vmem>>
    %dma_start3A_36 = arith.constant 0 : i32
    %dma_start3A_37 = tpu.memref_slice %arg4[%add3A_32, %dma_start3A_36] : memref<16384x128xf32, #tpu.memory_space<hbm>> -> memref<256x128xf32, #tpu.memory_space<hbm>>
    %dma_start3A_38 = arith.constant 0 : i32
    %dma_start3A_39 = tpu.memref_slice %arg4[%add3A_32, %dma_start3A_38] : memref<16384x128xf32, #tpu.memory_space<hbm>> -> memref<256x128xf32, #tpu.memory_space<hbm>>
    %dma_start3A_40 = arith.constant 0 : i32
    %dma_start3A_41 = arith.constant 0 : i32
    %dma_start3A_42 = tpu.memref_slice %arg6[%dma_start3A_40, %dma_start3A_41] : memref<512x128xf32, #tpu.memory_space<vmem>> -> memref<256x128xf32, #tpu.memory_space<vmem>>
    tpu.enqueue_dma source(%dma_start3A_42 : memref<256x128xf32, #tpu.memory_space<vmem>>) target(%dma_start3A_39 : memref<256x128xf32, #tpu.memory_space<hbm>>) target_semaphore(%arg9 : memref<!tpu.dma_semaphore, #tpu.memory_space<semaphore_mem>>)
    %dma_wait3A_43 = arith.constant 256 : i32
    %dma_wait3A_44 = arith.constant 0 : i32
    %dma_wait3A_45 = tpu.memref_slice %arg6[%dma_wait3A_43, %dma_wait3A_44] : memref<512x128xf32, #tpu.memory_space<vmem>> -> memref<256x128xf32, #tpu.memory_space<vmem>>
    %dma_wait3A_46 = arith.constant 256 : i32
    %dma_wait3A_47 = tpu.memref_slice %arg5[%dma_wait3A_46] : memref<512xi32, #tpu.memory_space<vmem>> -> memref<256xi32, #tpu.memory_space<vmem>>
    %dma_wait3A_48 = arith.constant 0 : i32
    %dma_wait3A_49 = arith.constant 0 : i32
    %dma_wait3A_50 = tpu.memref_slice %arg3[%dma_wait3A_48, %dma_wait3A_49] : memref<100000x128xf32, #tpu.memory_space<hbm>> -> memref<100000x128xf32, #tpu.memory_space<hbm>>
    tpu.wait_indirect_dma semaphore(%arg8 : memref<!tpu.dma_semaphore, #tpu.memory_space<semaphore_mem>>) src(%dma_wait3A_50 : memref<100000x128xf32, #tpu.memory_space<hbm>>) dst(%dma_wait3A_45 : memref<256x128xf32, #tpu.memory_space<vmem>>)
    %parallel_loop3A_51 = arith.constant 256 : i32
    %parallel_loop3A_52 = arith.constant 384 : i32
    %parallel_loop3A_53 = arith.constant 1 : i32
    scf.for %parallel_loop3A_136 = %parallel_loop3A_51 to %parallel_loop3A_52 step %parallel_loop3A_53  : i32 {
      %parallel_loop3A_137 = arith.index_cast %parallel_loop3A_136 : i32 to index
      %parallel_loop3A_138 = arith.constant 0 : index
      %parallel_loop3A_139 = tpu.vector_load %arg6[%parallel_loop3A_137, %parallel_loop3A_138] {strides = array<i32>} : memref<512x128xf32, #tpu.memory_space<vmem>>, vector<16xf32>,
      %parallel_loop3A_140 = arith.index_cast %parallel_loop3A_136 : i32 to index
      %parallel_loop3A_141 = arith.constant 16 : index
      %parallel_loop3A_142 = tpu.vector_load %arg6[%parallel_loop3A_140, %parallel_loop3A_141] {strides = array<i32>} : memref<512x128xf32, #tpu.memory_space<vmem>>, vector<16xf32>,
      %parallel_loop3A_143 = arith.index_cast %parallel_loop3A_136 : i32 to index
      %parallel_loop3A_144 = arith.constant 32 : index
      %parallel_loop3A_145 = tpu.vector_load %arg6[%parallel_loop3A_143, %parallel_loop3A_144] {strides = array<i32>} : memref<512x128xf32, #tpu.memory_space<vmem>>, vector<16xf32>,
      %parallel_loop3A_146 = arith.index_cast %parallel_loop3A_136 : i32 to index
      %parallel_loop3A_147 = arith.constant 48 : index
      %parallel_loop3A_148 = tpu.vector_load %arg6[%parallel_loop3A_146, %parallel_loop3A_147] {strides = array<i32>} : memref<512x128xf32, #tpu.memory_space<vmem>>, vector<16xf32>,
      %parallel_loop3A_149 = arith.index_cast %parallel_loop3A_136 : i32 to index
      %parallel_loop3A_150 = arith.constant 64 : index
      %parallel_loop3A_151 = tpu.vector_load %arg6[%parallel_loop3A_149, %parallel_loop3A_150] {strides = array<i32>} : memref<512x128xf32, #tpu.memory_space<vmem>>, vector<16xf32>,
      %parallel_loop3A_152 = arith.index_cast %parallel_loop3A_136 : i32 to index
      %parallel_loop3A_153 = arith.constant 80 : index
      %parallel_loop3A_154 = tpu.vector_load %arg6[%parallel_loop3A_152, %parallel_loop3A_153] {strides = array<i32>} : memref<512x128xf32, #tpu.memory_space<vmem>>, vector<16xf32>,
      %parallel_loop3A_155 = arith.index_cast %parallel_loop3A_136 : i32 to index
      %parallel_loop3A_156 = arith.constant 96 : index
      %parallel_loop3A_157 = tpu.vector_load %arg6[%parallel_loop3A_155, %parallel_loop3A_156] {strides = array<i32>} : memref<512x128xf32, #tpu.memory_space<vmem>>, vector<16xf32>,
      %parallel_loop3A_158 = arith.index_cast %parallel_loop3A_136 : i32 to index
      %parallel_loop3A_159 = arith.constant 112 : index
      %parallel_loop3A_160 = tpu.vector_load %arg6[%parallel_loop3A_158, %parallel_loop3A_159] {strides = array<i32>} : memref<512x128xf32, #tpu.memory_space<vmem>>, vector<16xf32>,
      %parallel_loop3A_161 = arith.mulf %parallel_loop3A_139, %parallel_loop3A_139 : vector<16xf32>
      %parallel_loop3A_162 = arith.mulf %parallel_loop3A_142, %parallel_loop3A_142 : vector<16xf32>
      %parallel_loop3A_163 = arith.mulf %parallel_loop3A_145, %parallel_loop3A_145 : vector<16xf32>
      %parallel_loop3A_164 = arith.addf %parallel_loop3A_163, %parallel_loop3A_161 : vector<16xf32>
      %parallel_loop3A_165 = arith.mulf %parallel_loop3A_148, %parallel_loop3A_148 : vector<16xf32>
      %parallel_loop3A_166 = arith.addf %parallel_loop3A_165, %parallel_loop3A_162 : vector<16xf32>
      %parallel_loop3A_167 = arith.mulf %parallel_loop3A_151, %parallel_loop3A_151 : vector<16xf32>
      %parallel_loop3A_168 = arith.addf %parallel_loop3A_167, %parallel_loop3A_164 : vector<16xf32>
      %parallel_loop3A_169 = arith.mulf %parallel_loop3A_154, %parallel_loop3A_154 : vector<16xf32>
      %parallel_loop3A_170 = arith.addf %parallel_loop3A_169, %parallel_loop3A_166 : vector<16xf32>
      %parallel_loop3A_171 = arith.mulf %parallel_loop3A_157, %parallel_loop3A_157 : vector<16xf32>
      %parallel_loop3A_172 = arith.addf %parallel_loop3A_171, %parallel_loop3A_168 : vector<16xf32>
      %parallel_loop3A_173 = arith.mulf %parallel_loop3A_160, %parallel_loop3A_160 : vector<16xf32>
      %parallel_loop3A_174 = arith.addf %parallel_loop3A_173, %parallel_loop3A_170 : vector<16xf32>
      %parallel_loop3A_175 = arith.constant 0.000000e+00 : f32
      %parallel_loop3A_176 = vector.broadcast %parallel_loop3A_175 : f32 to vector<16xf32>
      %parallel_loop3A_177 = arith.addf %parallel_loop3A_172, %parallel_loop3A_174 : vector<16xf32>
      %parallel_loop3A_178 = arith.constant true
      %parallel_loop3A_179 = vector.broadcast %parallel_loop3A_178 : i1 to vector<16xi1>
      %parallel_loop3A_180 = tpu.scan <sum>, %parallel_loop3A_177 masked %parallel_loop3A_179 : vector<16xf32>, vector<16xi1> -> vector<16xf32>
      %parallel_loop3A_181 = vector.extract %parallel_loop3A_180[15] : f32 from vector<16xf32>
      %parallel_loop3A_182 = vector.broadcast %parallel_loop3A_181 : f32 to vector<16xf32>
      %parallel_loop3A_183 = arith.addf %parallel_loop3A_176, %parallel_loop3A_182 : vector<16xf32>
      %parallel_loop3A_184 = arith.constant 1.000000e-24 : f32
      %parallel_loop3A_185 = vector.broadcast %parallel_loop3A_184 : f32 to vector<16xf32>
      %parallel_loop3A_186 = arith.maximumf %parallel_loop3A_183, %parallel_loop3A_185 : vector<16xf32>
      %parallel_loop3A_187 = tpu.bitcast %parallel_loop3A_186 : vector<16xf32> -> vector<16xi32>
      %parallel_loop3A_188 = arith.constant 1597463007 : i32
      %parallel_loop3A_189 = vector.broadcast %parallel_loop3A_188 : i32 to vector<16xi32>
      %parallel_loop3A_190 = arith.constant 1 : i32
      %parallel_loop3A_191 = vector.broadcast %parallel_loop3A_190 : i32 to vector<16xi32>
      %parallel_loop3A_192 = arith.shrsi %parallel_loop3A_187, %parallel_loop3A_191 : vector<16xi32>
      %parallel_loop3A_193 = arith.subi %parallel_loop3A_189, %parallel_loop3A_192 : vector<16xi32>
      %parallel_loop3A_194 = tpu.bitcast %parallel_loop3A_193 : vector<16xi32> -> vector<16xf32>
      %parallel_loop3A_195 = arith.constant 5.000000e-01 : f32
      %parallel_loop3A_196 = vector.broadcast %parallel_loop3A_195 : f32 to vector<16xf32>
      %parallel_loop3A_197 = arith.mulf %parallel_loop3A_196, %parallel_loop3A_186 : vector<16xf32>
      %parallel_loop3A_198 = arith.mulf %parallel_loop3A_197, %parallel_loop3A_194 : vector<16xf32>
      %parallel_loop3A_199 = arith.mulf %parallel_loop3A_198, %parallel_loop3A_194 : vector<16xf32>
      %parallel_loop3A_200 = arith.constant 1.500000e+00 : f32
      %parallel_loop3A_201 = vector.broadcast %parallel_loop3A_200 : f32 to vector<16xf32>
      %parallel_loop3A_202 = arith.subf %parallel_loop3A_201, %parallel_loop3A_199 : vector<16xf32>
      %parallel_loop3A_203 = arith.mulf %parallel_loop3A_194, %parallel_loop3A_202 : vector<16xf32>
      %parallel_loop3A_204 = arith.constant 5.000000e-01 : f32
      %parallel_loop3A_205 = vector.broadcast %parallel_loop3A_204 : f32 to vector<16xf32>
      %parallel_loop3A_206 = arith.mulf %parallel_loop3A_205, %parallel_loop3A_186 : vector<16xf32>
      %parallel_loop3A_207 = arith.mulf %parallel_loop3A_206, %parallel_loop3A_203 : vector<16xf32>
      %parallel_loop3A_208 = arith.mulf %parallel_loop3A_207, %parallel_loop3A_203 : vector<16xf32>
      %parallel_loop3A_209 = arith.constant 1.500000e+00 : f32
      %parallel_loop3A_210 = vector.broadcast %parallel_loop3A_209 : f32 to vector<16xf32>
      %parallel_loop3A_211 = arith.subf %parallel_loop3A_210, %parallel_loop3A_208 : vector<16xf32>
      %parallel_loop3A_212 = arith.mulf %parallel_loop3A_203, %parallel_loop3A_211 : vector<16xf32>
      %parallel_loop3A_213 = arith.mulf %parallel_loop3A_139, %parallel_loop3A_212 : vector<16xf32>
      %parallel_loop3A_214 = arith.index_cast %parallel_loop3A_136 : i32 to index
      %parallel_loop3A_215 = arith.constant 0 : index
      %parallel_loop3A_216 = tpu.vector_load %arg6[%parallel_loop3A_214, %parallel_loop3A_215] {strides = array<i32>} : memref<512x128xf32, #tpu.memory_space<vmem>>, vector<16xf32>,
      tpu.vector_store %arg6[%parallel_loop3A_214, %parallel_loop3A_215], %parallel_loop3A_213 {strides = array<i32>} : memref<512x128xf32, #tpu.memory_space<vmem>>, vector<16xf32>,
      %parallel_loop3A_217 = arith.mulf %parallel_loop3A_142, %parallel_loop3A_212 : vector<16xf32>
      %parallel_loop3A_218 = arith.index_cast %parallel_loop3A_136 : i32 to index
      %parallel_loop3A_219 = arith.constant 16 : index
      %parallel_loop3A_220 = tpu.vector_load %arg6[%parallel_loop3A_218, %parallel_loop3A_219] {strides = array<i32>} : memref<512x128xf32, #tpu.memory_space<vmem>>, vector<16xf32>,
      tpu.vector_store %arg6[%parallel_loop3A_218, %parallel_loop3A_219], %parallel_loop3A_217 {strides = array<i32>} : memref<512x128xf32, #tpu.memory_space<vmem>>, vector<16xf32>,
      %parallel_loop3A_221 = arith.mulf %parallel_loop3A_145, %parallel_loop3A_212 : vector<16xf32>
      %parallel_loop3A_222 = arith.index_cast %parallel_loop3A_136 : i32 to index
      %parallel_loop3A_223 = arith.constant 32 : index
      %parallel_loop3A_224 = tpu.vector_load %arg6[%parallel_loop3A_222, %parallel_loop3A_223] {strides = array<i32>} : memref<512x128xf32, #tpu.memory_space<vmem>>, vector<16xf32>,
      tpu.vector_store %arg6[%parallel_loop3A_222, %parallel_loop3A_223], %parallel_loop3A_221 {strides = array<i32>} : memref<512x128xf32, #tpu.memory_space<vmem>>, vector<16xf32>,
      %parallel_loop3A_225 = arith.mulf %parallel_loop3A_148, %parallel_loop3A_212 : vector<16xf32>
      %parallel_loop3A_226 = arith.index_cast %parallel_loop3A_136 : i32 to index
      %parallel_loop3A_227 = arith.constant 48 : index
      %parallel_loop3A_228 = tpu.vector_load %arg6[%parallel_loop3A_226, %parallel_loop3A_227] {strides = array<i32>} : memref<512x128xf32, #tpu.memory_space<vmem>>, vector<16xf32>,
      tpu.vector_store %arg6[%parallel_loop3A_226, %parallel_loop3A_227], %parallel_loop3A_225 {strides = array<i32>} : memref<512x128xf32, #tpu.memory_space<vmem>>, vector<16xf32>,
      %parallel_loop3A_229 = arith.mulf %parallel_loop3A_151, %parallel_loop3A_212 : vector<16xf32>
      %parallel_loop3A_230 = arith.index_cast %parallel_loop3A_136 : i32 to index
      %parallel_loop3A_231 = arith.constant 64 : index
      %parallel_loop3A_232 = tpu.vector_load %arg6[%parallel_loop3A_230, %parallel_loop3A_231] {strides = array<i32>} : memref<512x128xf32, #tpu.memory_space<vmem>>, vector<16xf32>,
      tpu.vector_store %arg6[%parallel_loop3A_230, %parallel_loop3A_231], %parallel_loop3A_229 {strides = array<i32>} : memref<512x128xf32, #tpu.memory_space<vmem>>, vector<16xf32>,
      %parallel_loop3A_233 = arith.mulf %parallel_loop3A_154, %parallel_loop3A_212 : vector<16xf32>
      %parallel_loop3A_234 = arith.index_cast %parallel_loop3A_136 : i32 to index
      %parallel_loop3A_235 = arith.constant 80 : index
      %parallel_loop3A_236 = tpu.vector_load %arg6[%parallel_loop3A_234, %parallel_loop3A_235] {strides = array<i32>} : memref<512x128xf32, #tpu.memory_space<vmem>>, vector<16xf32>,
      tpu.vector_store %arg6[%parallel_loop3A_234, %parallel_loop3A_235], %parallel_loop3A_233 {strides = array<i32>} : memref<512x128xf32, #tpu.memory_space<vmem>>, vector<16xf32>,
      %parallel_loop3A_237 = arith.mulf %parallel_loop3A_157, %parallel_loop3A_212 : vector<16xf32>
      %parallel_loop3A_238 = arith.index_cast %parallel_loop3A_136 : i32 to index
      %parallel_loop3A_239 = arith.constant 96 : index
      %parallel_loop3A_240 = tpu.vector_load %arg6[%parallel_loop3A_238, %parallel_loop3A_239] {strides = array<i32>} : memref<512x128xf32, #tpu.memory_space<vmem>>, vector<16xf32>,
      tpu.vector_store %arg6[%parallel_loop3A_238, %parallel_loop3A_239], %parallel_loop3A_237 {strides = array<i32>} : memref<512x128xf32, #tpu.memory_space<vmem>>, vector<16xf32>,
      %parallel_loop3A_241 = arith.mulf %parallel_loop3A_160, %parallel_loop3A_212 : vector<16xf32>
      %parallel_loop3A_242 = arith.index_cast %parallel_loop3A_136 : i32 to index
      %parallel_loop3A_243 = arith.constant 112 : index
      %parallel_loop3A_244 = tpu.vector_load %arg6[%parallel_loop3A_242, %parallel_loop3A_243] {strides = array<i32>} : memref<512x128xf32, #tpu.memory_space<vmem>>, vector<16xf32>,
      tpu.vector_store %arg6[%parallel_loop3A_242, %parallel_loop3A_243], %parallel_loop3A_241 {strides = array<i32>} : memref<512x128xf32, #tpu.memory_space<vmem>>, vector<16xf32>,
    } {sc.loop_unroll_factor = 2 : i64, sc.parallel_access}
    %add3A_54 = arith.constant 256 : i32
    %add3A_55 = arith.addi %mul3A_2, %add3A_54 : i32
    %dma_start3A_56 = arith.constant 256 : i32
    %dma_start3A_57 = arith.constant 0 : i32
    %dma_start3A_58 = tpu.memref_slice %arg6[%dma_start3A_56, %dma_start3A_57] : memref<512x128xf32, #tpu.memory_space<vmem>> -> memref<128x128xf32, #tpu.memory_space<vmem>>
    %dma_start3A_59 = arith.constant 0 : i32
    %dma_start3A_60 = tpu.memref_slice %arg4[%add3A_55, %dma_start3A_59] : memref<16384x128xf32, #tpu.memory_space<hbm>> -> memref<128x128xf32, #tpu.memory_space<hbm>>
    %dma_start3A_61 = arith.constant 0 : i32
    %dma_start3A_62 = tpu.memref_slice %arg4[%add3A_55, %dma_start3A_61] : memref<16384x128xf32, #tpu.memory_space<hbm>> -> memref<128x128xf32, #tpu.memory_space<hbm>>
    %dma_start3A_63 = arith.constant 256 : i32
    %dma_start3A_64 = arith.constant 0 : i32
    %dma_start3A_65 = tpu.memref_slice %arg6[%dma_start3A_63, %dma_start3A_64] : memref<512x128xf32, #tpu.memory_space<vmem>> -> memref<128x128xf32, #tpu.memory_space<vmem>>
    tpu.enqueue_dma source(%dma_start3A_65 : memref<128x128xf32, #tpu.memory_space<vmem>>) target(%dma_start3A_62 : memref<128x128xf32, #tpu.memory_space<hbm>>) target_semaphore(%arg9 : memref<!tpu.dma_semaphore, #tpu.memory_space<semaphore_mem>>)
    %parallel_loop3A_66 = arith.constant 384 : i32
    %parallel_loop3A_67 = arith.constant 448 : i32
    %parallel_loop3A_68 = arith.constant 1 : i32
    scf.for %parallel_loop3A_136 = %parallel_loop3A_66 to %parallel_loop3A_67 step %parallel_loop3A_68  : i32 {
      %parallel_loop3A_137 = arith.index_cast %parallel_loop3A_136 : i32 to index
      %parallel_loop3A_138 = arith.constant 0 : index
      %parallel_loop3A_139 = tpu.vector_load %arg6[%parallel_loop3A_137, %parallel_loop3A_138] {strides = array<i32>} : memref<512x128xf32, #tpu.memory_space<vmem>>, vector<16xf32>,
      %parallel_loop3A_140 = arith.index_cast %parallel_loop3A_136 : i32 to index
      %parallel_loop3A_141 = arith.constant 16 : index
      %parallel_loop3A_142 = tpu.vector_load %arg6[%parallel_loop3A_140, %parallel_loop3A_141] {strides = array<i32>} : memref<512x128xf32, #tpu.memory_space<vmem>>, vector<16xf32>,
      %parallel_loop3A_143 = arith.index_cast %parallel_loop3A_136 : i32 to index
      %parallel_loop3A_144 = arith.constant 32 : index
      %parallel_loop3A_145 = tpu.vector_load %arg6[%parallel_loop3A_143, %parallel_loop3A_144] {strides = array<i32>} : memref<512x128xf32, #tpu.memory_space<vmem>>, vector<16xf32>,
      %parallel_loop3A_146 = arith.index_cast %parallel_loop3A_136 : i32 to index
      %parallel_loop3A_147 = arith.constant 48 : index
      %parallel_loop3A_148 = tpu.vector_load %arg6[%parallel_loop3A_146, %parallel_loop3A_147] {strides = array<i32>} : memref<512x128xf32, #tpu.memory_space<vmem>>, vector<16xf32>,
      %parallel_loop3A_149 = arith.index_cast %parallel_loop3A_136 : i32 to index
      %parallel_loop3A_150 = arith.constant 64 : index
      %parallel_loop3A_151 = tpu.vector_load %arg6[%parallel_loop3A_149, %parallel_loop3A_150] {strides = array<i32>} : memref<512x128xf32, #tpu.memory_space<vmem>>, vector<16xf32>,
      %parallel_loop3A_152 = arith.index_cast %parallel_loop3A_136 : i32 to index
      %parallel_loop3A_153 = arith.constant 80 : index
      %parallel_loop3A_154 = tpu.vector_load %arg6[%parallel_loop3A_152, %parallel_loop3A_153] {strides = array<i32>} : memref<512x128xf32, #tpu.memory_space<vmem>>, vector<16xf32>,
      %parallel_loop3A_155 = arith.index_cast %parallel_loop3A_136 : i32 to index
      %parallel_loop3A_156 = arith.constant 96 : index
      %parallel_loop3A_157 = tpu.vector_load %arg6[%parallel_loop3A_155, %parallel_loop3A_156] {strides = array<i32>} : memref<512x128xf32, #tpu.memory_space<vmem>>, vector<16xf32>,
      %parallel_loop3A_158 = arith.index_cast %parallel_loop3A_136 : i32 to index
      %parallel_loop3A_159 = arith.constant 112 : index
      %parallel_loop3A_160 = tpu.vector_load %arg6[%parallel_loop3A_158, %parallel_loop3A_159] {strides = array<i32>} : memref<512x128xf32, #tpu.memory_space<vmem>>, vector<16xf32>,
      %parallel_loop3A_161 = arith.mulf %parallel_loop3A_139, %parallel_loop3A_139 : vector<16xf32>
      %parallel_loop3A_162 = arith.mulf %parallel_loop3A_142, %parallel_loop3A_142 : vector<16xf32>
      %parallel_loop3A_163 = arith.mulf %parallel_loop3A_145, %parallel_loop3A_145 : vector<16xf32>
      %parallel_loop3A_164 = arith.addf %parallel_loop3A_163, %parallel_loop3A_161 : vector<16xf32>
      %parallel_loop3A_165 = arith.mulf %parallel_loop3A_148, %parallel_loop3A_148 : vector<16xf32>
      %parallel_loop3A_166 = arith.addf %parallel_loop3A_165, %parallel_loop3A_162 : vector<16xf32>
      %parallel_loop3A_167 = arith.mulf %parallel_loop3A_151, %parallel_loop3A_151 : vector<16xf32>
      %parallel_loop3A_168 = arith.addf %parallel_loop3A_167, %parallel_loop3A_164 : vector<16xf32>
      %parallel_loop3A_169 = arith.mulf %parallel_loop3A_154, %parallel_loop3A_154 : vector<16xf32>
      %parallel_loop3A_170 = arith.addf %parallel_loop3A_169, %parallel_loop3A_166 : vector<16xf32>
      %parallel_loop3A_171 = arith.mulf %parallel_loop3A_157, %parallel_loop3A_157 : vector<16xf32>
      %parallel_loop3A_172 = arith.addf %parallel_loop3A_171, %parallel_loop3A_168 : vector<16xf32>
      %parallel_loop3A_173 = arith.mulf %parallel_loop3A_160, %parallel_loop3A_160 : vector<16xf32>
      %parallel_loop3A_174 = arith.addf %parallel_loop3A_173, %parallel_loop3A_170 : vector<16xf32>
      %parallel_loop3A_175 = arith.constant 0.000000e+00 : f32
      %parallel_loop3A_176 = vector.broadcast %parallel_loop3A_175 : f32 to vector<16xf32>
      %parallel_loop3A_177 = arith.addf %parallel_loop3A_172, %parallel_loop3A_174 : vector<16xf32>
      %parallel_loop3A_178 = arith.constant true
      %parallel_loop3A_179 = vector.broadcast %parallel_loop3A_178 : i1 to vector<16xi1>
      %parallel_loop3A_180 = tpu.scan <sum>, %parallel_loop3A_177 masked %parallel_loop3A_179 : vector<16xf32>, vector<16xi1> -> vector<16xf32>
      %parallel_loop3A_181 = vector.extract %parallel_loop3A_180[15] : f32 from vector<16xf32>
      %parallel_loop3A_182 = vector.broadcast %parallel_loop3A_181 : f32 to vector<16xf32>
      %parallel_loop3A_183 = arith.addf %parallel_loop3A_176, %parallel_loop3A_182 : vector<16xf32>
      %parallel_loop3A_184 = arith.constant 1.000000e-24 : f32
      %parallel_loop3A_185 = vector.broadcast %parallel_loop3A_184 : f32 to vector<16xf32>
      %parallel_loop3A_186 = arith.maximumf %parallel_loop3A_183, %parallel_loop3A_185 : vector<16xf32>
      %parallel_loop3A_187 = tpu.bitcast %parallel_loop3A_186 : vector<16xf32> -> vector<16xi32>
      %parallel_loop3A_188 = arith.constant 1597463007 : i32
      %parallel_loop3A_189 = vector.broadcast %parallel_loop3A_188 : i32 to vector<16xi32>
      %parallel_loop3A_190 = arith.constant 1 : i32
      %parallel_loop3A_191 = vector.broadcast %parallel_loop3A_190 : i32 to vector<16xi32>
      %parallel_loop3A_192 = arith.shrsi %parallel_loop3A_187, %parallel_loop3A_191 : vector<16xi32>
      %parallel_loop3A_193 = arith.subi %parallel_loop3A_189, %parallel_loop3A_192 : vector<16xi32>
      %parallel_loop3A_194 = tpu.bitcast %parallel_loop3A_193 : vector<16xi32> -> vector<16xf32>
      %parallel_loop3A_195 = arith.constant 5.000000e-01 : f32
      %parallel_loop3A_196 = vector.broadcast %parallel_loop3A_195 : f32 to vector<16xf32>
      %parallel_loop3A_197 = arith.mulf %parallel_loop3A_196, %parallel_loop3A_186 : vector<16xf32>
      %parallel_loop3A_198 = arith.mulf %parallel_loop3A_197, %parallel_loop3A_194 : vector<16xf32>
      %parallel_loop3A_199 = arith.mulf %parallel_loop3A_198, %parallel_loop3A_194 : vector<16xf32>
      %parallel_loop3A_200 = arith.constant 1.500000e+00 : f32
      %parallel_loop3A_201 = vector.broadcast %parallel_loop3A_200 : f32 to vector<16xf32>
      %parallel_loop3A_202 = arith.subf %parallel_loop3A_201, %parallel_loop3A_199 : vector<16xf32>
      %parallel_loop3A_203 = arith.mulf %parallel_loop3A_194, %parallel_loop3A_202 : vector<16xf32>
      %parallel_loop3A_204 = arith.constant 5.000000e-01 : f32
      %parallel_loop3A_205 = vector.broadcast %parallel_loop3A_204 : f32 to vector<16xf32>
      %parallel_loop3A_206 = arith.mulf %parallel_loop3A_205, %parallel_loop3A_186 : vector<16xf32>
      %parallel_loop3A_207 = arith.mulf %parallel_loop3A_206, %parallel_loop3A_203 : vector<16xf32>
      %parallel_loop3A_208 = arith.mulf %parallel_loop3A_207, %parallel_loop3A_203 : vector<16xf32>
      %parallel_loop3A_209 = arith.constant 1.500000e+00 : f32
      %parallel_loop3A_210 = vector.broadcast %parallel_loop3A_209 : f32 to vector<16xf32>
      %parallel_loop3A_211 = arith.subf %parallel_loop3A_210, %parallel_loop3A_208 : vector<16xf32>
      %parallel_loop3A_212 = arith.mulf %parallel_loop3A_203, %parallel_loop3A_211 : vector<16xf32>
      %parallel_loop3A_213 = arith.mulf %parallel_loop3A_139, %parallel_loop3A_212 : vector<16xf32>
      %parallel_loop3A_214 = arith.index_cast %parallel_loop3A_136 : i32 to index
      %parallel_loop3A_215 = arith.constant 0 : index
      %parallel_loop3A_216 = tpu.vector_load %arg6[%parallel_loop3A_214, %parallel_loop3A_215] {strides = array<i32>} : memref<512x128xf32, #tpu.memory_space<vmem>>, vector<16xf32>,
      tpu.vector_store %arg6[%parallel_loop3A_214, %parallel_loop3A_215], %parallel_loop3A_213 {strides = array<i32>} : memref<512x128xf32, #tpu.memory_space<vmem>>, vector<16xf32>,
      %parallel_loop3A_217 = arith.mulf %parallel_loop3A_142, %parallel_loop3A_212 : vector<16xf32>
      %parallel_loop3A_218 = arith.index_cast %parallel_loop3A_136 : i32 to index
      %parallel_loop3A_219 = arith.constant 16 : index
      %parallel_loop3A_220 = tpu.vector_load %arg6[%parallel_loop3A_218, %parallel_loop3A_219] {strides = array<i32>} : memref<512x128xf32, #tpu.memory_space<vmem>>, vector<16xf32>,
      tpu.vector_store %arg6[%parallel_loop3A_218, %parallel_loop3A_219], %parallel_loop3A_217 {strides = array<i32>} : memref<512x128xf32, #tpu.memory_space<vmem>>, vector<16xf32>,
      %parallel_loop3A_221 = arith.mulf %parallel_loop3A_145, %parallel_loop3A_212 : vector<16xf32>
      %parallel_loop3A_222 = arith.index_cast %parallel_loop3A_136 : i32 to index
      %parallel_loop3A_223 = arith.constant 32 : index
      %parallel_loop3A_224 = tpu.vector_load %arg6[%parallel_loop3A_222, %parallel_loop3A_223] {strides = array<i32>} : memref<512x128xf32, #tpu.memory_space<vmem>>, vector<16xf32>,
      tpu.vector_store %arg6[%parallel_loop3A_222, %parallel_loop3A_223], %parallel_loop3A_221 {strides = array<i32>} : memref<512x128xf32, #tpu.memory_space<vmem>>, vector<16xf32>,
      %parallel_loop3A_225 = arith.mulf %parallel_loop3A_148, %parallel_loop3A_212 : vector<16xf32>
      %parallel_loop3A_226 = arith.index_cast %parallel_loop3A_136 : i32 to index
      %parallel_loop3A_227 = arith.constant 48 : index
      %parallel_loop3A_228 = tpu.vector_load %arg6[%parallel_loop3A_226, %parallel_loop3A_227] {strides = array<i32>} : memref<512x128xf32, #tpu.memory_space<vmem>>, vector<16xf32>,
      tpu.vector_store %arg6[%parallel_loop3A_226, %parallel_loop3A_227], %parallel_loop3A_225 {strides = array<i32>} : memref<512x128xf32, #tpu.memory_space<vmem>>, vector<16xf32>,
      %parallel_loop3A_229 = arith.mulf %parallel_loop3A_151, %parallel_loop3A_212 : vector<16xf32>
      %parallel_loop3A_230 = arith.index_cast %parallel_loop3A_136 : i32 to index
      %parallel_loop3A_231 = arith.constant 64 : index
      %parallel_loop3A_232 = tpu.vector_load %arg6[%parallel_loop3A_230, %parallel_loop3A_231] {strides = array<i32>} : memref<512x128xf32, #tpu.memory_space<vmem>>, vector<16xf32>,
      tpu.vector_store %arg6[%parallel_loop3A_230, %parallel_loop3A_231], %parallel_loop3A_229 {strides = array<i32>} : memref<512x128xf32, #tpu.memory_space<vmem>>, vector<16xf32>,
      %parallel_loop3A_233 = arith.mulf %parallel_loop3A_154, %parallel_loop3A_212 : vector<16xf32>
      %parallel_loop3A_234 = arith.index_cast %parallel_loop3A_136 : i32 to index
      %parallel_loop3A_235 = arith.constant 80 : index
      %parallel_loop3A_236 = tpu.vector_load %arg6[%parallel_loop3A_234, %parallel_loop3A_235] {strides = array<i32>} : memref<512x128xf32, #tpu.memory_space<vmem>>, vector<16xf32>,
      tpu.vector_store %arg6[%parallel_loop3A_234, %parallel_loop3A_235], %parallel_loop3A_233 {strides = array<i32>} : memref<512x128xf32, #tpu.memory_space<vmem>>, vector<16xf32>,
      %parallel_loop3A_237 = arith.mulf %parallel_loop3A_157, %parallel_loop3A_212 : vector<16xf32>
      %parallel_loop3A_238 = arith.index_cast %parallel_loop3A_136 : i32 to index
      %parallel_loop3A_239 = arith.constant 96 : index
      %parallel_loop3A_240 = tpu.vector_load %arg6[%parallel_loop3A_238, %parallel_loop3A_239] {strides = array<i32>} : memref<512x128xf32, #tpu.memory_space<vmem>>, vector<16xf32>,
      tpu.vector_store %arg6[%parallel_loop3A_238, %parallel_loop3A_239], %parallel_loop3A_237 {strides = array<i32>} : memref<512x128xf32, #tpu.memory_space<vmem>>, vector<16xf32>,
      %parallel_loop3A_241 = arith.mulf %parallel_loop3A_160, %parallel_loop3A_212 : vector<16xf32>
      %parallel_loop3A_242 = arith.index_cast %parallel_loop3A_136 : i32 to index
      %parallel_loop3A_243 = arith.constant 112 : index
      %parallel_loop3A_244 = tpu.vector_load %arg6[%parallel_loop3A_242, %parallel_loop3A_243] {strides = array<i32>} : memref<512x128xf32, #tpu.memory_space<vmem>>, vector<16xf32>,
      tpu.vector_store %arg6[%parallel_loop3A_242, %parallel_loop3A_243], %parallel_loop3A_241 {strides = array<i32>} : memref<512x128xf32, #tpu.memory_space<vmem>>, vector<16xf32>,
    } {sc.loop_unroll_factor = 2 : i64, sc.parallel_access}
    %add3A_69 = arith.constant 384 : i32
    %add3A_70 = arith.addi %mul3A_2, %add3A_69 : i32
    %dma_start3A_71 = arith.constant 384 : i32
    %dma_start3A_72 = arith.constant 0 : i32
    %dma_start3A_73 = tpu.memref_slice %arg6[%dma_start3A_71, %dma_start3A_72] : memref<512x128xf32, #tpu.memory_space<vmem>> -> memref<64x128xf32, #tpu.memory_space<vmem>>
    %dma_start3A_74 = arith.constant 0 : i32
    %dma_start3A_75 = tpu.memref_slice %arg4[%add3A_70, %dma_start3A_74] : memref<16384x128xf32, #tpu.memory_space<hbm>> -> memref<64x128xf32, #tpu.memory_space<hbm>>
    %dma_start3A_76 = arith.constant 0 : i32
    %dma_start3A_77 = tpu.memref_slice %arg4[%add3A_70, %dma_start3A_76] : memref<16384x128xf32, #tpu.memory_space<hbm>> -> memref<64x128xf32, #tpu.memory_space<hbm>>
    %dma_start3A_78 = arith.constant 384 : i32
    %dma_start3A_79 = arith.constant 0 : i32
    %dma_start3A_80 = tpu.memref_slice %arg6[%dma_start3A_78, %dma_start3A_79] : memref<512x128xf32, #tpu.memory_space<vmem>> -> memref<64x128xf32, #tpu.memory_space<vmem>>
    tpu.enqueue_dma source(%dma_start3A_80 : memref<64x128xf32, #tpu.memory_space<vmem>>) target(%dma_start3A_77 : memref<64x128xf32, #tpu.memory_space<hbm>>) target_semaphore(%arg9 : memref<!tpu.dma_semaphore, #tpu.memory_space<semaphore_mem>>)
    %parallel_loop3A_81 = arith.constant 448 : i32
    %parallel_loop3A_82 = arith.constant 512 : i32
    %parallel_loop3A_83 = arith.constant 1 : i32
    scf.for %parallel_loop3A_136 = %parallel_loop3A_81 to %parallel_loop3A_82 step %parallel_loop3A_83  : i32 {
      %parallel_loop3A_137 = arith.index_cast %parallel_loop3A_136 : i32 to index
      %parallel_loop3A_138 = arith.constant 0 : index
      %parallel_loop3A_139 = tpu.vector_load %arg6[%parallel_loop3A_137, %parallel_loop3A_138] {strides = array<i32>} : memref<512x128xf32, #tpu.memory_space<vmem>>, vector<16xf32>,
      %parallel_loop3A_140 = arith.index_cast %parallel_loop3A_136 : i32 to index
      %parallel_loop3A_141 = arith.constant 16 : index
      %parallel_loop3A_142 = tpu.vector_load %arg6[%parallel_loop3A_140, %parallel_loop3A_141] {strides = array<i32>} : memref<512x128xf32, #tpu.memory_space<vmem>>, vector<16xf32>,
      %parallel_loop3A_143 = arith.index_cast %parallel_loop3A_136 : i32 to index
      %parallel_loop3A_144 = arith.constant 32 : index
      %parallel_loop3A_145 = tpu.vector_load %arg6[%parallel_loop3A_143, %parallel_loop3A_144] {strides = array<i32>} : memref<512x128xf32, #tpu.memory_space<vmem>>, vector<16xf32>,
      %parallel_loop3A_146 = arith.index_cast %parallel_loop3A_136 : i32 to index
      %parallel_loop3A_147 = arith.constant 48 : index
      %parallel_loop3A_148 = tpu.vector_load %arg6[%parallel_loop3A_146, %parallel_loop3A_147] {strides = array<i32>} : memref<512x128xf32, #tpu.memory_space<vmem>>, vector<16xf32>,
      %parallel_loop3A_149 = arith.index_cast %parallel_loop3A_136 : i32 to index
      %parallel_loop3A_150 = arith.constant 64 : index
      %parallel_loop3A_151 = tpu.vector_load %arg6[%parallel_loop3A_149, %parallel_loop3A_150] {strides = array<i32>} : memref<512x128xf32, #tpu.memory_space<vmem>>, vector<16xf32>,
      %parallel_loop3A_152 = arith.index_cast %parallel_loop3A_136 : i32 to index
      %parallel_loop3A_153 = arith.constant 80 : index
      %parallel_loop3A_154 = tpu.vector_load %arg6[%parallel_loop3A_152, %parallel_loop3A_153] {strides = array<i32>} : memref<512x128xf32, #tpu.memory_space<vmem>>, vector<16xf32>,
      %parallel_loop3A_155 = arith.index_cast %parallel_loop3A_136 : i32 to index
      %parallel_loop3A_156 = arith.constant 96 : index
      %parallel_loop3A_157 = tpu.vector_load %arg6[%parallel_loop3A_155, %parallel_loop3A_156] {strides = array<i32>} : memref<512x128xf32, #tpu.memory_space<vmem>>, vector<16xf32>,
      %parallel_loop3A_158 = arith.index_cast %parallel_loop3A_136 : i32 to index
      %parallel_loop3A_159 = arith.constant 112 : index
      %parallel_loop3A_160 = tpu.vector_load %arg6[%parallel_loop3A_158, %parallel_loop3A_159] {strides = array<i32>} : memref<512x128xf32, #tpu.memory_space<vmem>>, vector<16xf32>,
      %parallel_loop3A_161 = arith.mulf %parallel_loop3A_139, %parallel_loop3A_139 : vector<16xf32>
      %parallel_loop3A_162 = arith.mulf %parallel_loop3A_142, %parallel_loop3A_142 : vector<16xf32>
      %parallel_loop3A_163 = arith.mulf %parallel_loop3A_145, %parallel_loop3A_145 : vector<16xf32>
      %parallel_loop3A_164 = arith.addf %parallel_loop3A_163, %parallel_loop3A_161 : vector<16xf32>
      %parallel_loop3A_165 = arith.mulf %parallel_loop3A_148, %parallel_loop3A_148 : vector<16xf32>
      %parallel_loop3A_166 = arith.addf %parallel_loop3A_165, %parallel_loop3A_162 : vector<16xf32>
      %parallel_loop3A_167 = arith.mulf %parallel_loop3A_151, %parallel_loop3A_151 : vector<16xf32>
      %parallel_loop3A_168 = arith.addf %parallel_loop3A_167, %parallel_loop3A_164 : vector<16xf32>
      %parallel_loop3A_169 = arith.mulf %parallel_loop3A_154, %parallel_loop3A_154 : vector<16xf32>
      %parallel_loop3A_170 = arith.addf %parallel_loop3A_169, %parallel_loop3A_166 : vector<16xf32>
      %parallel_loop3A_171 = arith.mulf %parallel_loop3A_157, %parallel_loop3A_157 : vector<16xf32>
      %parallel_loop3A_172 = arith.addf %parallel_loop3A_171, %parallel_loop3A_168 : vector<16xf32>
      %parallel_loop3A_173 = arith.mulf %parallel_loop3A_160, %parallel_loop3A_160 : vector<16xf32>
      %parallel_loop3A_174 = arith.addf %parallel_loop3A_173, %parallel_loop3A_170 : vector<16xf32>
      %parallel_loop3A_175 = arith.constant 0.000000e+00 : f32
      %parallel_loop3A_176 = vector.broadcast %parallel_loop3A_175 : f32 to vector<16xf32>
      %parallel_loop3A_177 = arith.addf %parallel_loop3A_172, %parallel_loop3A_174 : vector<16xf32>
      %parallel_loop3A_178 = arith.constant true
      %parallel_loop3A_179 = vector.broadcast %parallel_loop3A_178 : i1 to vector<16xi1>
      %parallel_loop3A_180 = tpu.scan <sum>, %parallel_loop3A_177 masked %parallel_loop3A_179 : vector<16xf32>, vector<16xi1> -> vector<16xf32>
      %parallel_loop3A_181 = vector.extract %parallel_loop3A_180[15] : f32 from vector<16xf32>
      %parallel_loop3A_182 = vector.broadcast %parallel_loop3A_181 : f32 to vector<16xf32>
      %parallel_loop3A_183 = arith.addf %parallel_loop3A_176, %parallel_loop3A_182 : vector<16xf32>
      %parallel_loop3A_184 = arith.constant 1.000000e-24 : f32
      %parallel_loop3A_185 = vector.broadcast %parallel_loop3A_184 : f32 to vector<16xf32>
      %parallel_loop3A_186 = arith.maximumf %parallel_loop3A_183, %parallel_loop3A_185 : vector<16xf32>
      %parallel_loop3A_187 = tpu.bitcast %parallel_loop3A_186 : vector<16xf32> -> vector<16xi32>
      %parallel_loop3A_188 = arith.constant 1597463007 : i32
      %parallel_loop3A_189 = vector.broadcast %parallel_loop3A_188 : i32 to vector<16xi32>
      %parallel_loop3A_190 = arith.constant 1 : i32
      %parallel_loop3A_191 = vector.broadcast %parallel_loop3A_190 : i32 to vector<16xi32>
      %parallel_loop3A_192 = arith.shrsi %parallel_loop3A_187, %parallel_loop3A_191 : vector<16xi32>
      %parallel_loop3A_193 = arith.subi %parallel_loop3A_189, %parallel_loop3A_192 : vector<16xi32>
      %parallel_loop3A_194 = tpu.bitcast %parallel_loop3A_193 : vector<16xi32> -> vector<16xf32>
      %parallel_loop3A_195 = arith.constant 5.000000e-01 : f32
      %parallel_loop3A_196 = vector.broadcast %parallel_loop3A_195 : f32 to vector<16xf32>
      %parallel_loop3A_197 = arith.mulf %parallel_loop3A_196, %parallel_loop3A_186 : vector<16xf32>
      %parallel_loop3A_198 = arith.mulf %parallel_loop3A_197, %parallel_loop3A_194 : vector<16xf32>
      %parallel_loop3A_199 = arith.mulf %parallel_loop3A_198, %parallel_loop3A_194 : vector<16xf32>
      %parallel_loop3A_200 = arith.constant 1.500000e+00 : f32
      %parallel_loop3A_201 = vector.broadcast %parallel_loop3A_200 : f32 to vector<16xf32>
      %parallel_loop3A_202 = arith.subf %parallel_loop3A_201, %parallel_loop3A_199 : vector<16xf32>
      %parallel_loop3A_203 = arith.mulf %parallel_loop3A_194, %parallel_loop3A_202 : vector<16xf32>
      %parallel_loop3A_204 = arith.constant 5.000000e-01 : f32
      %parallel_loop3A_205 = vector.broadcast %parallel_loop3A_204 : f32 to vector<16xf32>
      %parallel_loop3A_206 = arith.mulf %parallel_loop3A_205, %parallel_loop3A_186 : vector<16xf32>
      %parallel_loop3A_207 = arith.mulf %parallel_loop3A_206, %parallel_loop3A_203 : vector<16xf32>
      %parallel_loop3A_208 = arith.mulf %parallel_loop3A_207, %parallel_loop3A_203 : vector<16xf32>
      %parallel_loop3A_209 = arith.constant 1.500000e+00 : f32
      %parallel_loop3A_210 = vector.broadcast %parallel_loop3A_209 : f32 to vector<16xf32>
      %parallel_loop3A_211 = arith.subf %parallel_loop3A_210, %parallel_loop3A_208 : vector<16xf32>
      %parallel_loop3A_212 = arith.mulf %parallel_loop3A_203, %parallel_loop3A_211 : vector<16xf32>
      %parallel_loop3A_213 = arith.mulf %parallel_loop3A_139, %parallel_loop3A_212 : vector<16xf32>
      %parallel_loop3A_214 = arith.index_cast %parallel_loop3A_136 : i32 to index
      %parallel_loop3A_215 = arith.constant 0 : index
      %parallel_loop3A_216 = tpu.vector_load %arg6[%parallel_loop3A_214, %parallel_loop3A_215] {strides = array<i32>} : memref<512x128xf32, #tpu.memory_space<vmem>>, vector<16xf32>,
      tpu.vector_store %arg6[%parallel_loop3A_214, %parallel_loop3A_215], %parallel_loop3A_213 {strides = array<i32>} : memref<512x128xf32, #tpu.memory_space<vmem>>, vector<16xf32>,
      %parallel_loop3A_217 = arith.mulf %parallel_loop3A_142, %parallel_loop3A_212 : vector<16xf32>
      %parallel_loop3A_218 = arith.index_cast %parallel_loop3A_136 : i32 to index
      %parallel_loop3A_219 = arith.constant 16 : index
      %parallel_loop3A_220 = tpu.vector_load %arg6[%parallel_loop3A_218, %parallel_loop3A_219] {strides = array<i32>} : memref<512x128xf32, #tpu.memory_space<vmem>>, vector<16xf32>,
      tpu.vector_store %arg6[%parallel_loop3A_218, %parallel_loop3A_219], %parallel_loop3A_217 {strides = array<i32>} : memref<512x128xf32, #tpu.memory_space<vmem>>, vector<16xf32>,
      %parallel_loop3A_221 = arith.mulf %parallel_loop3A_145, %parallel_loop3A_212 : vector<16xf32>
      %parallel_loop3A_222 = arith.index_cast %parallel_loop3A_136 : i32 to index
      %parallel_loop3A_223 = arith.constant 32 : index
      %parallel_loop3A_224 = tpu.vector_load %arg6[%parallel_loop3A_222, %parallel_loop3A_223] {strides = array<i32>} : memref<512x128xf32, #tpu.memory_space<vmem>>, vector<16xf32>,
      tpu.vector_store %arg6[%parallel_loop3A_222, %parallel_loop3A_223], %parallel_loop3A_221 {strides = array<i32>} : memref<512x128xf32, #tpu.memory_space<vmem>>, vector<16xf32>,
      %parallel_loop3A_225 = arith.mulf %parallel_loop3A_148, %parallel_loop3A_212 : vector<16xf32>
      %parallel_loop3A_226 = arith.index_cast %parallel_loop3A_136 : i32 to index
      %parallel_loop3A_227 = arith.constant 48 : index
      %parallel_loop3A_228 = tpu.vector_load %arg6[%parallel_loop3A_226, %parallel_loop3A_227] {strides = array<i32>} : memref<512x128xf32, #tpu.memory_space<vmem>>, vector<16xf32>,
      tpu.vector_store %arg6[%parallel_loop3A_226, %parallel_loop3A_227], %parallel_loop3A_225 {strides = array<i32>} : memref<512x128xf32, #tpu.memory_space<vmem>>, vector<16xf32>,
      %parallel_loop3A_229 = arith.mulf %parallel_loop3A_151, %parallel_loop3A_212 : vector<16xf32>
      %parallel_loop3A_230 = arith.index_cast %parallel_loop3A_136 : i32 to index
      %parallel_loop3A_231 = arith.constant 64 : index
      %parallel_loop3A_232 = tpu.vector_load %arg6[%parallel_loop3A_230, %parallel_loop3A_231] {strides = array<i32>} : memref<512x128xf32, #tpu.memory_space<vmem>>, vector<16xf32>,
      tpu.vector_store %arg6[%parallel_loop3A_230, %parallel_loop3A_231], %parallel_loop3A_229 {strides = array<i32>} : memref<512x128xf32, #tpu.memory_space<vmem>>, vector<16xf32>,
      %parallel_loop3A_233 = arith.mulf %parallel_loop3A_154, %parallel_loop3A_212 : vector<16xf32>
      %parallel_loop3A_234 = arith.index_cast %parallel_loop3A_136 : i32 to index
      %parallel_loop3A_235 = arith.constant 80 : index
      %parallel_loop3A_236 = tpu.vector_load %arg6[%parallel_loop3A_234, %parallel_loop3A_235] {strides = array<i32>} : memref<512x128xf32, #tpu.memory_space<vmem>>, vector<16xf32>,
      tpu.vector_store %arg6[%parallel_loop3A_234, %parallel_loop3A_235], %parallel_loop3A_233 {strides = array<i32>} : memref<512x128xf32, #tpu.memory_space<vmem>>, vector<16xf32>,
      %parallel_loop3A_237 = arith.mulf %parallel_loop3A_157, %parallel_loop3A_212 : vector<16xf32>
      %parallel_loop3A_238 = arith.index_cast %parallel_loop3A_136 : i32 to index
      %parallel_loop3A_239 = arith.constant 96 : index
      %parallel_loop3A_240 = tpu.vector_load %arg6[%parallel_loop3A_238, %parallel_loop3A_239] {strides = array<i32>} : memref<512x128xf32, #tpu.memory_space<vmem>>, vector<16xf32>,
      tpu.vector_store %arg6[%parallel_loop3A_238, %parallel_loop3A_239], %parallel_loop3A_237 {strides = array<i32>} : memref<512x128xf32, #tpu.memory_space<vmem>>, vector<16xf32>,
      %parallel_loop3A_241 = arith.mulf %parallel_loop3A_160, %parallel_loop3A_212 : vector<16xf32>
      %parallel_loop3A_242 = arith.index_cast %parallel_loop3A_136 : i32 to index
      %parallel_loop3A_243 = arith.constant 112 : index
      %parallel_loop3A_244 = tpu.vector_load %arg6[%parallel_loop3A_242, %parallel_loop3A_243] {strides = array<i32>} : memref<512x128xf32, #tpu.memory_space<vmem>>, vector<16xf32>,
      tpu.vector_store %arg6[%parallel_loop3A_242, %parallel_loop3A_243], %parallel_loop3A_241 {strides = array<i32>} : memref<512x128xf32, #tpu.memory_space<vmem>>, vector<16xf32>,
    } {sc.loop_unroll_factor = 2 : i64, sc.parallel_access}
    %add3A_84 = arith.constant 448 : i32
    %add3A_85 = arith.addi %mul3A_2, %add3A_84 : i32
    %dma_start3A_86 = arith.constant 448 : i32
    %dma_start3A_87 = arith.constant 0 : i32
    %dma_start3A_88 = tpu.memref_slice %arg6[%dma_start3A_86, %dma_start3A_87] : memref<512x128xf32, #tpu.memory_space<vmem>> -> memref<64x128xf32, #tpu.memory_space<vmem>>
    %dma_start3A_89 = arith.constant 0 : i32
    %dma_start3A_90 = tpu.memref_slice %arg4[%add3A_85, %dma_start3A_89] : memref<16384x128xf32, #tpu.memory_space<hbm>> -> memref<64x128xf32, #tpu.memory_space<hbm>>
    %dma_start3A_91 = arith.constant 0 : i32
    %dma_start3A_92 = tpu.memref_slice %arg4[%add3A_85, %dma_start3A_91] : memref<16384x128xf32, #tpu.memory_space<hbm>> -> memref<64x128xf32, #tpu.memory_space<hbm>>
    %dma_start3A_93 = arith.constant 448 : i32
    %dma_start3A_94 = arith.constant 0 : i32
    %dma_start3A_95 = tpu.memref_slice %arg6[%dma_start3A_93, %dma_start3A_94] : memref<512x128xf32, #tpu.memory_space<vmem>> -> memref<64x128xf32, #tpu.memory_space<vmem>>
    tpu.enqueue_dma source(%dma_start3A_95 : memref<64x128xf32, #tpu.memory_space<vmem>>) target(%dma_start3A_92 : memref<64x128xf32, #tpu.memory_space<hbm>>) target_semaphore(%arg9 : memref<!tpu.dma_semaphore, #tpu.memory_space<semaphore_mem>>)
    %dma_wait3A_96 = arith.constant 0 : i32
    %dma_wait3A_97 = arith.constant 0 : i32
    %dma_wait3A_98 = tpu.memref_slice %arg6[%dma_wait3A_96, %dma_wait3A_97] : memref<512x128xf32, #tpu.memory_space<vmem>> -> memref<256x128xf32, #tpu.memory_space<vmem>>
    %dma_wait3A_99 = arith.constant 0 : i32
    %dma_wait3A_100 = tpu.memref_slice %arg4[%add3A_32, %dma_wait3A_99] : memref<16384x128xf32, #tpu.memory_space<hbm>> -> memref<256x128xf32, #tpu.memory_space<hbm>>
    %dma_wait3A_101 = arith.constant 0 : i32
    %dma_wait3A_102 = tpu.memref_slice %arg4[%add3A_32, %dma_wait3A_101] : memref<16384x128xf32, #tpu.memory_space<hbm>> -> memref<256x128xf32, #tpu.memory_space<hbm>>
    %dma_wait3A_103 = arith.constant 0 : i32
    %dma_wait3A_104 = arith.constant 0 : i32
    %dma_wait3A_105 = tpu.memref_slice %arg6[%dma_wait3A_103, %dma_wait3A_104] : memref<512x128xf32, #tpu.memory_space<vmem>> -> memref<256x128xf32, #tpu.memory_space<vmem>>
    tpu.wait_dma2 semaphore(%arg9 : memref<!tpu.dma_semaphore, #tpu.memory_space<semaphore_mem>>) src(%dma_wait3A_105 : memref<256x128xf32, #tpu.memory_space<vmem>>) dst(%dma_wait3A_102 : memref<256x128xf32, #tpu.memory_space<hbm>>)
    %dma_wait3A_106 = arith.constant 256 : i32
    %dma_wait3A_107 = arith.constant 0 : i32
    %dma_wait3A_108 = tpu.memref_slice %arg6[%dma_wait3A_106, %dma_wait3A_107] : memref<512x128xf32, #tpu.memory_space<vmem>> -> memref<128x128xf32, #tpu.memory_space<vmem>>
    %dma_wait3A_109 = arith.constant 0 : i32
    %dma_wait3A_110 = tpu.memref_slice %arg4[%add3A_55, %dma_wait3A_109] : memref<16384x128xf32, #tpu.memory_space<hbm>> -> memref<128x128xf32, #tpu.memory_space<hbm>>
    %dma_wait3A_111 = arith.constant 0 : i32
    %dma_wait3A_112 = tpu.memref_slice %arg4[%add3A_55, %dma_wait3A_111] : memref<16384x128xf32, #tpu.memory_space<hbm>> -> memref<128x128xf32, #tpu.memory_space<hbm>>
    %dma_wait3A_113 = arith.constant 256 : i32
    %dma_wait3A_114 = arith.constant 0 : i32
    %dma_wait3A_115 = tpu.memref_slice %arg6[%dma_wait3A_113, %dma_wait3A_114] : memref<512x128xf32, #tpu.memory_space<vmem>> -> memref<128x128xf32, #tpu.memory_space<vmem>>
    tpu.wait_dma2 semaphore(%arg9 : memref<!tpu.dma_semaphore, #tpu.memory_space<semaphore_mem>>) src(%dma_wait3A_115 : memref<128x128xf32, #tpu.memory_space<vmem>>) dst(%dma_wait3A_112 : memref<128x128xf32, #tpu.memory_space<hbm>>)
    %dma_wait3A_116 = arith.constant 384 : i32
    %dma_wait3A_117 = arith.constant 0 : i32
    %dma_wait3A_118 = tpu.memref_slice %arg6[%dma_wait3A_116, %dma_wait3A_117] : memref<512x128xf32, #tpu.memory_space<vmem>> -> memref<64x128xf32, #tpu.memory_space<vmem>>
    %dma_wait3A_119 = arith.constant 0 : i32
    %dma_wait3A_120 = tpu.memref_slice %arg4[%add3A_70, %dma_wait3A_119] : memref<16384x128xf32, #tpu.memory_space<hbm>> -> memref<64x128xf32, #tpu.memory_space<hbm>>
    %dma_wait3A_121 = arith.constant 0 : i32
    %dma_wait3A_122 = tpu.memref_slice %arg4[%add3A_70, %dma_wait3A_121] : memref<16384x128xf32, #tpu.memory_space<hbm>> -> memref<64x128xf32, #tpu.memory_space<hbm>>
    %dma_wait3A_123 = arith.constant 384 : i32
    %dma_wait3A_124 = arith.constant 0 : i32
    %dma_wait3A_125 = tpu.memref_slice %arg6[%dma_wait3A_123, %dma_wait3A_124] : memref<512x128xf32, #tpu.memory_space<vmem>> -> memref<64x128xf32, #tpu.memory_space<vmem>>
    tpu.wait_dma2 semaphore(%arg9 : memref<!tpu.dma_semaphore, #tpu.memory_space<semaphore_mem>>) src(%dma_wait3A_125 : memref<64x128xf32, #tpu.memory_space<vmem>>) dst(%dma_wait3A_122 : memref<64x128xf32, #tpu.memory_space<hbm>>)
    %dma_wait3A_126 = arith.constant 448 : i32
    %dma_wait3A_127 = arith.constant 0 : i32
    %dma_wait3A_128 = tpu.memref_slice %arg6[%dma_wait3A_126, %dma_wait3A_127] : memref<512x128xf32, #tpu.memory_space<vmem>> -> memref<64x128xf32, #tpu.memory_space<vmem>>
    %dma_wait3A_129 = arith.constant 0 : i32
    %dma_wait3A_130 = tpu.memref_slice %arg4[%add3A_85, %dma_wait3A_129] : memref<16384x128xf32, #tpu.memory_space<hbm>> -> memref<64x128xf32, #tpu.memory_space<hbm>>
    %dma_wait3A_131 = arith.constant 0 : i32
    %dma_wait3A_132 = tpu.memref_slice %arg4[%add3A_85, %dma_wait3A_131] : memref<16384x128xf32, #tpu.memory_space<hbm>> -> memref<64x128xf32, #tpu.memory_space<hbm>>
    %dma_wait3A_133 = arith.constant 448 : i32
    %dma_wait3A_134 = arith.constant 0 : i32
    %dma_wait3A_135 = tpu.memref_slice %arg6[%dma_wait3A_133, %dma_wait3A_134] : memref<512x128xf32, #tpu.memory_space<vmem>> -> memref<64x128xf32, #tpu.memory_space<vmem>>
    tpu.wait_dma2 semaphore(%arg9 : memref<!tpu.dma_semaphore, #tpu.memory_space<semaphore_mem>>) src(%dma_wait3A_135 : memref<64x128xf32, #tpu.memory_space<vmem>>) dst(%dma_wait3A_132 : memref<64x128xf32, #tpu.memory_space<hbm>>)
    return
  }
}

</mosaic_0001>

<sc_bundles>
// kernel: kernel.3.cloned.1.call-start
scs
__scs_entry_jumppad:
0x0: {  	(pc) =	sbr.rel $0x88, $3  }
0x1: {  	(tag) =	ssettag $0x0;
	lr =	simm.s32 $0x1  }
0x2: {  	[smem:$0x3F9F] =	sst lr;
	_ =	strace $0xD0000000  }
0x3: {  	_ = 	snop  }
0x4: {  	_ = 	snop  }
0x5: {  	_ = 	snop  }
0x6: {  	_ = 	snop  }
0x7: {  	_ = 	snop  }
__scs_overlays_trampoline_lowered:
0x8: {  	[smem:$0x3FAE] =	sst s0  }
0x9: {  	[smem:$0x3FAF] =	sst s1  }
0xa: {  	[smem:$0x3FB0] =	sst s2  }
0xb: {  	[smem:$0x3FB1] =	sst s3  }
0xc: {  	[smem:$0x3FB2] =	sst s4  }
0xd: {  	[smem:$0x3FB3] =	sst s5  }
0xe: {  	[smem:$0x3FB4] =	sst s6  }
0xf: {  	[smem:$0x3FB5] =	sst s7  }
0x10: {  	[smem:$0x3FB6] =	sst s8  }
0x11: {  	[smem:$0x3FB7] =	sst s9;
	s0 =	simm.s32 @!p0 $0x0  }
0x12: {  	s1 =	sld [smem:$0x3F9D];
	s0 =	simm.s32 @p0 $0x1  }
0x13: {  	[smem:$0x3FB8] =	sst s0;
	s0 =	simm.s32 @!p1 $0x0  }
0x14: {  	s2 =	sld [smem:$0x3F9C];
	s0 =	simm.s32 @p1 $0x1  }
0x15: {  	[smem:$0x3FB9] =	sst s0;
	s0 =	simm.s32 @!p2 $0x0  }
0x16: {  	s3 =	sld [smem:$0x3FDB];
	s0 =	simm.s32 @p2 $0x1  }
0x17: {  	s4 =	simm.s32 $0x1BF5;
	[smem:$0x3FBB] =	sst s0  }
0x18: {  	s0 =	sld [smem:$0x3F9E];
	_ =	swait.ge [sflag:s4], $0x0  }
0x19: {  	s7 =	sld [smem:$0x3F9F]  }
0x1a: {  	s8 =	sadd.s32 $0xFFFFE003, lr  }
0x1b: {  	s9 =	sadd.s32 $0xFFFFFEF7, lr;
	s5 =	simm.s32 $0xFFFFFFFF;
	p2 =	slt.u32 s8, $0xFFFFF086  }
0x1c: {  	p1 =	slt.u32 s9, $0xF7A;
	s5 =	simm.s32 @!p2 $0x0  }
0x1d: {  	s5 =	simm.s32 @p1 $0x1;
	p0 =	seq.s32 s7, s2  }
0x1e: {  	s7 =	smul.u32 @!p0 $0xF7A, s2;
	p2 =	seq.s32 @!p0 s5, $0x0  }
0x1f: {  	s9 =	smul.u32 $0xF7A, s1;
	s8 =	simm.s32 @!p0 $0x1BF5;
	p2 =	por !p2, p0  }
0x20: {  	[sflag:s8] =	ssyncset.s32 @!p0 $0xFFFFF086;
	s6 =	sadd.s32 @!p0 s3, s7;
	s7 =	simm.s32 @!p0 $0x108  }
0x21: {  	s3 =	sadd.s32 s3, s9;
	s6 =	sadd.s32 @!p0 $0x88, s6;
	s7 =	simm.s32 @p2 $0x1082  }
0x22: {  	[simem:s7], [sflag:s8] =	dma.local @!p0 [hbm:s6], $0xF7A  }
0x23: {  	s9 =	sor.u32 $0xD0000000, s2;
	s6 =	simm.s32 $0x108;
	_ =	swait.ge @!p0 [sflag:s8], $0x0  }
0x24: {  	s3 =	sadd.s32 $0x88, s3;
	s6 =	simm.s32 @!p1 $0x1082;
	[sflag:s4] =	ssyncset.s32 $0xFFFFF086  }
0x25: {  	[simem:s6], [sflag:s4] =	dma.local [hbm:s3], $0xF7A  }
0x26: {  	[smem:$0x3F9F] =	sst s1;
	(tag) =	ssettag s2;
	_ =	strace s9  }
0x27: {  	s1 =	sld [smem:$0x3FAF]  }
0x28: {  	s2 =	sld [smem:$0x3FB0]  }
0x29: {  	s4 =	sld [smem:$0x3FB2]  }
0x2a: {  	p0 =	seq.s32 s5, $0x0;
	s5 =	sld [smem:$0x3FB3]  }
0x2b: {  	s6 =	sld [smem:$0x3FB4]  }
0x2c: {  	s7 =	sld [smem:$0x3FB5]  }
0x2d: {  	s3 =	simm.s32 $0x108;
	s8 =	sld [smem:$0x3FB6]  }
0x2e: {  	s3 =	simm.s32 @!p0 $0x1082;
	s9 =	sld [smem:$0x3FB7]  }
0x2f: {  	lr =	sadd.s32 s0, s3;
	s0 =	sld [smem:$0x3FAE]  }
0x30: {  	s3 =	sld [smem:$0x3FB1]  }
0x31: {  	[smem:$0x3FBA] =	sst s10  }
0x32: {  	s10 =	sld [smem:$0x3FB8];
	_ =	sdelay $0x3  }
0x33: {  	p0 =	seq.s32 s10, $0x1;
	s10 =	sld [smem:$0x3FBA];
	_ =	sdelay $0x3  }
0x34: {  	[smem:$0x3FBA] =	sst s10  }
0x35: {  	s10 =	sld [smem:$0x3FB9];
	_ =	sdelay $0x3  }
0x36: {  	p1 =	seq.s32 s10, $0x1;
	s10 =	sld [smem:$0x3FBA];
	_ =	sdelay $0x3  }
0x37: {  	[smem:$0x3FBA] =	sst s10  }
0x38: {  	s10 =	sld [smem:$0x3FBB]  }
0x39: {  	_ = 	snop;
	(pc) =	sbr.ind lr, $3  }
0x3a: {  	_ = 	snop  }
0x3b: {  	_ = 	snop  }
0x3c: {  	p2 =	seq.s32 s10, $0x1;
	s10 =	sld [smem:$0x3FBA]  }
0x3d: {  	_ =	shalt  }
0x3e: {  	_ =	shalt  }
0x3f: {  	_ =	shalt  }
0x40: {  	_ =	shalt  }
0x41: {  	_ =	shalt  }
0x42: {  	_ =	shalt  }
0x43: {  	_ =	shalt  }
0x44: {  	_ =	shalt  }
0x45: {  	_ =	shalt  }
0x46: {  	_ =	shalt  }
0x47: {  	_ =	shalt  }
0x48: {  	_ =	shalt  }
0x49: {  	_ =	shalt  }
0x4a: {  	_ =	shalt  }
0x4b: {  	_ =	shalt  }
0x4c: {  	_ =	shalt  }
0x4d: {  	_ =	shalt  }
0x4e: {  	_ =	shalt  }
0x4f: {  	_ =	shalt  }
0x50: {  	_ =	shalt  }
0x51: {  	_ =	shalt  }
0x52: {  	_ =	shalt  }
0x53: {  	_ =	shalt  }
0x54: {  	_ =	shalt  }
0x55: {  	_ =	shalt  }
0x56: {  	_ =	shalt  }
0x57: {  	_ =	shalt  }
0x58: {  	_ =	shalt  }
0x59: {  	_ =	shalt  }
0x5a: {  	_ =	shalt  }
0x5b: {  	_ =	shalt  }
0x5c: {  	_ =	shalt  }
0x5d: {  	_ =	shalt  }
0x5e: {  	_ =	shalt  }
0x5f: {  	_ =	shalt  }
0x60: {  	_ =	shalt  }
0x61: {  	_ =	shalt  }
0x62: {  	_ =	shalt  }
0x63: {  	_ =	shalt  }
0x64: {  	_ =	shalt  }
0x65: {  	_ =	shalt  }
0x66: {  	_ =	shalt  }
0x67: {  	_ =	shalt  }
0x68: {  	_ =	shalt  }
0x69: {  	_ =	shalt  }
0x6a: {  	_ =	shalt  }
0x6b: {  	_ =	shalt  }
0x6c: {  	_ =	shalt  }
0x6d: {  	_ =	shalt  }
0x6e: {  	_ =	shalt  }
0x6f: {  	_ =	shalt  }
0x70: {  	_ =	shalt  }
0x71: {  	_ =	shalt  }
0x72: {  	_ =	shalt  }
0x73: {  	_ =	shalt  }
0x74: {  	_ =	shalt  }
0x75: {  	_ =	shalt  }
0x76: {  	_ =	shalt  }
0x77: {  	_ =	shalt  }
0x78: {  	_ =	shalt  }
0x79: {  	_ =	shalt  }
0x7a: {  	_ =	shalt  }
0x7b: {  	_ =	shalt  }
0x7c: {  	_ =	shalt  }
0x7d: {  	_ =	shalt  }
0x7e: {  	_ =	shalt  }
0x7f: {  	_ =	shalt  }
0x80: {  	_ =	shalt  }
0x81: {  	_ =	shalt  }
0x82: {  	_ =	shalt  }
0x83: {  	_ =	shalt  }
0x84: {  	_ =	shalt  }
0x85: {  	_ =	shalt  }
0x86: {  	_ =	shalt  }
0x87: {  	_ =	shalt  }
.Lfunc_end0:
.L_simem_size_0:
called_computation_lowered:
.L_overlay_start_0:
0x88: {  	s2 =	sld [smem:$0x3FD9]  }
0x89: {  	s3 =	sld [smem:$0x3FFE];
	_ =	sdelay $0x1  }
0x8a: {  	s1 =	srdreg.scid  }
0x8b: {  	s0 =	sand.u32 $0x1, s1  }
0x8c: {  	s18 =	sshll.u32 s0, $0xA;
	s2 =	sadd.s32 s3, s2  }
0x8d: {  	s2 =	sadd.s32 s2, s18  }
0x8e: {  	[smem:$0x3FC6] =	sst s2  }
0x8f: {  	_ = 	snop  }
0x90: {  	s2 =	sld [smem:$0x3FC9]  }
0x91: {  	s19 =	sld [smem:$0x3FC8]  }
0x92: {  	s4 =	sld [smem:$0x3FD0];
	(tm) =	ssettm $0x1  }
0x93: {  	s5 =	sld [smem:$0x3FFB];
	_ =	sdelay $0x3  }
0x94: {  	_ =	strace s5  }
0x95: {  	s5 =	sld [smem:$0x3FFC];
	_ =	sdelay $0x3  }
0x96: {  	_ =	strace s5  }
0x97: {  	s5 =	sld [smem:$0x3FFD];
	_ =	sdelay $0x3  }
0x98: {  	_ =	strace s5  }
0x99: {  	_ =	strace $0x8FFFFFFF  }
0x9a: {  	s20 =	sld [smem:$0x3FDB];
	_ =	sdelay $0x1  }
0x9b: {  	s6 =	simm.s32 $_scs_section_size  }
0x9c: {  	s7 =	simm.s32 $_size__tile_overlayer_lowered;
	s8 =	simm.s32 $_tile_overlayer_lowered  }
0x9d: {  	s23 =	simm.s32 $0x1BFF;
	s22 =	sshll.u32 s8, $0x1;
	s5 =	sadd.s32 s6, s20  }
0x9e: {  	s9 =	simm.s32 $0x0;
	s21 =	sshll.u32 s7, $0x1;
	s7 =	sadd.s32 s22, s5  }
0x9f: {  	[timem:s9], [sflag:s23] =	dma.local [hbm:s7], s21  }
0xa0: {  	_ =	swait.ge [sflag:s23], s21  }
0xa1: {  	s6 =	ssub.s32 $0x0, s21;
	[sflag:s23] =	ssyncset.done $0x0  }
0xa2: {  	[sflag:s23] =	ssyncadd.s32 s6;
	_ =	sdelay $0x1  }
0xa3: {  	s24 =	simm.s32 $0x1B8B  }
0xa4: {  	_ =	swait.ge [sflag:s24], $0x1  }
0xa5: {  	[sflag:s24] =	ssyncset.done $0x0  }
0xa6: {  	s25 =	simm.s32 $0x1B8E;
	[sflag:s24] =	ssyncadd.s32 $0xFFFFFFFF  }
0xa7: {  	s26 =	simm.s32 $execute0_lowered;
	[smem:$0x3FD2] =	sst s25  }
0xa8: {  	s6 =	sshll.u32 s26, $0x1;
	_ =	strace $0x80000046;
	[dreg:$0x1] =	wrdreg $0xFFFFFFFF  }
0xa9: {  	s28 =	simm.s32 $_size_execute0_lowered;
	s5 =	sadd.s32 s5, s6;
	[dreg:$0x0] =	wrdreg $0x0  }
0xaa: {  	s6 =	sshll.u32 s28, $0x1;
	[dreg:$0x2] =	wrdreg s5  }
0xab: {  	[dreg:$0x3] =	wrdreg s6  }
0xac: {  	[dreg:$0x4] =	wrdreg $0xC0  }
0xad: {  	_ =	task [dreg:s9], $0x5FFFF  }
0xae: {  	[dreg:$0x1] =	wrdreg $0xFFFFFFFF  }
0xaf: {  	[dreg:$0x0] =	wrdreg $0x60  }
0xb0: {  	[dreg:$0x2] =	wrdreg s2  }
0xb1: {  	[dreg:$0x3] =	wrdreg s19  }
0xb2: {  	[dreg:$0x4] =	wrdreg s4  }
0xb3: {  	[dreg:$0x5] =	wrdreg $0x9  }
0xb4: {  	_ =	task.clear_ibuf [dreg:s9], $0x6FFFF;
	_ =	strace $0x90000046  }
0xb5: {  	s29 =	simm.s32 $0x9;
	_ =	strace $0x80000048  }
0xb6: {  	_ =	swait.ge [sflag:s29], $0x1  }
0xb7: {  	[sflag:s29] =	ssyncadd.s32 $0xFFFFFFFF  }
0xb8: {  	_ =	strace $0x90000048  }
0xb9: {  	_ =	sfence  }
0xba: {  	s30 =	sld [smem:$0x0];
	_ =	sdelay $0x2  }
0xbb: {  	s31 =	sshll.u32 s1, $0xD;
	s1 =	sshrl.u32 s1, $0x2  }
0xbc: {  	s3 =	sand.u32 $0x4000, s31;
	s1 =	sadd.s32 s1, s30  }
0xbd: {  	s0 =	sor.u32 s3, s0;
	s1 =	sshll.u32 s1, $0x11  }
0xbe: {  	s0 =	sor.u32 s1, s0  }
0xbf: {  	s0 =	sadd.s32 $0x8F2B, s0  }
0xc0: {  	[sflag:s0] =	ssyncadd.remote.s32 $0x1  }
0xc1: {  	_ =	sfence.sel $0xFFFF  }
0xc2: {  	[dreg:$0x0] =	wrdreg $0xFFFFFFFF;
	(pc) =	sbr.abs _section_cstart, $3  }
0xc3: {  	[dreg:$0x1] =	wrdreg $0xFFFFFFFF  }
0xc4: {  	_ =	task.clear_ibuf [dreg:s9], $0x2FFFF;
	_ =	strace $0x9FFFFFFF  }
0xc5: {  	(tm) =	ssettm $0x7FFFFFFF  }
tec
execute0_lowered:
.L_overlay_start_1:
0x0: {  	(tag) =	ssettag $0x1  }
0x1: {  	s6 =	rddreg [dreg:$0x0]  }
0x2: {  	s1 =	rddreg [dreg:$0x1]  }
0x3: {  	s7 =	rddreg [dreg:$0x2]  }
0x4: {  	s0 =	rddreg [dreg:$0x3];
	s4 =	srdreg.scid  }
0x5: {  	s3 =	simm.s32 $0x0;
	s2 =	stileid.u32;
	s11 =	simm.s32 $0x4  }
0x6: {  	s12 =	simm.s32 $0x100;
	s13 =	simm.s32 $0x200;
	s14 =	simm.s32 $0x8200  }
0x7: {  	s15 =	simm.s32 $0x1;
	s16 =	simm.s32 $0x2;
	s17 =	simm.s32 $0xC200  }
0x8: {  	s18 =	simm.s32 $0xE200;
	s19 =	simm.s32 $0x3;
	s4 =	sand.u32 $0x1, s4  }
0x9: {  	s20 =	simm.s32 $0x0;
	s8 =	sshll.u32 s2, $0xA;
	s5 =	ssub.s32 $0x2, s4  }
0xa: {  	[smem:$0x7FF] =	sst s3;
	s4 =	sshll.u32 s4, $0x9;
	s9 =	sshrl.u32 s5, $0x1  }
0xb: {  	_ =	strace $0x80000047;
	s8 =	sor.u32 s4, s8;
	s10 =	ssub.s32 s5, s9  }
0xc: {  	s4 =	sshrl.u32 s8, $0x3;
	s29 =	sor.u32 $0x100, s8;
	s30 =	sshll.u32 s8, $0x4  }
0xd: {  	s4 =	sadd.s32 s6, s4;
	s31 =	sshrl.u32 s29, $0x3;
	s5 =	sadd.s32 s7, s30  }
0xe: {  	s9 =	sshll.u32 s29, $0x4;
	s10 =	smax.u32 s10, $0x1;
	s6 =	sadd.s32 s6, s31  }
0xf: {  	s7 =	sadd.s32 s7, s9;
	s8 =	sadd.s32 $0x1800, s5;
	s9 =	sadd.s32 $0x1C00, s5  }
.LBB2_1:
0x10: {  	[tilespmem:s3], [sflag:$0x4] =	stream.linear.gather [hbm4b:s4+s3], $0x100, $0x38;
	[tilespmem:$0x10200] =	vst v63  }
0x11: {  	_ =	swait.ge [sflag:s11], $0x100  }
0x12: {  	[sflag:s11] =	ssyncset.done $0x0  }
0x13: {  	[sflag:s11] =	ssyncadd.s32 $0xFFFFFF00  }
0x14: {  	[tilespmem:s13], [sflag:$0x1] =	stream.indirect.gather [hbm4b:s1+s12], $0x80, s3, s12, $0xb8;
	[tilespmem:$0x10200] =	vst v63  }
0x15: {  	_ = 	snop  }
0x16: {  	[tilespmem:s12], [sflag:$0x4] =	stream.linear.gather [hbm4b:s6+s3], $0x100, $0x38;
	[tilespmem:$0x10200] =	vst v63  }
0x17: {  	_ =	swait.ge [sflag:s11], $0x100  }
0x18: {  	[sflag:s11] =	ssyncset.done $0x0  }
0x19: {  	[sflag:s11] =	ssyncadd.s32 $0xFFFFFF00  }
0x1a: {  	[tilespmem:s14], [sflag:$0x2] =	stream.indirect.gather [hbm4b:s1+s12], $0x80, s12, s12, $0xb8;
	[tilespmem:$0x10200] =	vst v63  }
0x1b: {  	_ =	swait.ge [sflag:s15], $0x8000  }
0x1c: {  	[sflag:s15] =	ssyncset.done $0x0  }
0x1d: {  	s22 =	simm.s32 $0x280;
	[sflag:s15] =	ssyncadd.s32 $0xFFFF8000  }
0x1e: {  	v16 =	vld [tilespmem:s22+$0x0]  }
0x1f: {  	v17 =	vld [tilespmem:s22+$0x10]  }
0x20: {  	v21 =	vld [tilespmem:s22+$0x20]  }
0x21: {  	v19 =	vld [tilespmem:s22+$0x30]  }
0x22: {  	v20 =	vld [tilespmem:s22+$0x40]  }
0x23: {  	v18 =	vld [tilespmem:s22+$0x50]  }
0x24: {  	v22 =	vld [tilespmem:s22+$0x60]  }
0x25: {  	v15 =	vld [tilespmem:s22+$0x70];
	v0 =	vmul.f32 v16, v16;
	v1 =	vmul.f32 v21, v21  }
0x26: {  	v2 =	vmul.f32 v17, v17;
	v3 =	vmul.f32 v19, v19  }
0x27: {  	v0 =	vadd.f32 v1, v0;
	v1 =	vmul.f32 v20, v20  }
0x28: {  	v2 =	vadd.f32 v3, v2;
	v3 =	vmul.f32 v18, v18  }
0x29: {  	v35 =	vld [tilespmem:s22+$0xFFFFFF90];
	v0 =	vadd.f32 v1, v0  }
0x2a: {  	v36 =	vld [tilespmem:s22+$0xFFFFFFA0];
	v1 =	vmul.f32 v22, v22;
	v2 =	vadd.f32 v3, v2;
	v3 =	vmul.f32 v15, v15  }
0x2b: {  	v38 =	vld [tilespmem:s22+$0xFFFFFF80]  }
0x2c: {  	v31 =	vld [tilespmem:s22+$0xFFFFFFB0];
	v0 =	vadd.f32 v1, v0;
	v1 =	vadd.f32 v3, v2  }
0x2d: {  	v34 =	vld [tilespmem:s22+$0xFFFFFFC0]  }
0x2e: {  	v32 =	vld [tilespmem:s22+$0xFFFFFFD0];
	v0 =	vadd.f32 v1, v0  }
0x2f: {  	v33 =	vld [tilespmem:s22+$0xFFFFFFE0]  }
0x30: {  	v30 =	vld [tilespmem:s22+$0xFFFFFFF0];
	v2 =	vmul.f32 v36, v36;
	v3 =	vmul.f32 v38, v38;
	(xrf2) =	vadd.scan.msk.f32 $0xffff, v0  }
0x31: {  	v1 =	vmul.f32 v31, v31;
	v0 =	vmul.f32 v35, v35  }
0x32: {  	v2 =	vadd.f32 v2, v3  }
0x33: {  	v3 =	vmul.f32 v32, v32;
	v0 =	vadd.f32 v1, v0;
	v1 =	vmul.f32 v34, v34  }
0x34: {  	v4 =	vmul.f32 v33, v33  }
0x35: {  	v1 =	vadd.f32 v1, v2;
	v2 =	vmul.f32 v30, v30;
	v0 =	vadd.f32 v3, v0  }
0x36: {  	s21 =	simm.s32 $0x380  }
0x37: {  	v37 =	vld [tilespmem:s21+$0x0];
	v1 =	vadd.f32 v4, v1;
	v0 =	vadd.f32 v2, v0  }
0x38: {  	v9 =	vld [tilespmem:s21+$0x10]  }
0x39: {  	v8 =	vld [tilespmem:s21+$0x20];
	v0 =	vadd.f32 v0, v1  }
0x3a: {  	v10 =	vld [tilespmem:s21+$0x30];
	v2, _, _ =	vpop (xrf2)  }
0x3b: {  	v7 =	vld [tilespmem:s21+$0x40];
	(xrf2) =	vadd.scan.msk.f32 $0xffff, v0;
	v1 =	vadd.f32 $0.0e+00, v2  }
0x3c: {  	v2 =	vld [tilespmem:s21+$0x60]  }
0x3d: {  	v0 =	vmax.f32 v1, $1.000000020e-24;
	v1 =	vld [tilespmem:s21+$0x50]  }
0x3e: {  	v6 =	vmul.f32 v9, v9;
	v0 =	vbroadcast v0, $0xF  }
0x3f: {  	v3 =	vmul.f32 v37, v37;
	v4 =	vmul.f32 v8, v8  }
0x40: {  	v39 =	vld [tilespmem:s21+$0x70];
	v11 =	vmul.f32 v10, v10;
	v5 =	vshra.s32 v0, $0x1;
	v14 =	vmul.f32 $5.000000000e-01, v0  }
0x41: {  	v13 =	vld [tilespmem:s21+$0xFFFFFFA0];
	v0 =	vadd.f32 v4, v3;
	v3 =	vmul.f32 v7, v7;
	v25 =	vmul.f32 v2, v2  }
0x42: {  	v4 =	vld [tilespmem:s21+$0xFFFFFF90];
	v23 =	vsub.s32 $0x5F3759DF, v5;
	v5 =	vadd.f32 v11, v6;
	v6 =	vmul.f32 v1, v1  }
0x43: {  	v11 =	vmul.f32 v23, v14;
	v24 =	vadd.f32 v3, v0;
	v3 =	vld [tilespmem:s21+$0xFFFFFFB0]  }
0x44: {  	v5 =	vadd.f32 v6, v5  }
0x45: {  	v12 =	vld [tilespmem:s21+$0xFFFFFF80];
	v6 =	vmul.f32 v39, v39;
	v11 =	vmul.f32 v23, v11;
	v24 =	vadd.f32 v25, v24;
	v25, _, _ =	vpop (xrf2)  }
0x46: {  	v0 =	vld [tilespmem:s21+$0xFFFFFFC0];
	v25 =	vadd.f32 $0.0e+00, v25  }
0x47: {  	v28 =	vmul.f32 v13, v13;
	v6 =	vadd.f32 v6, v5;
	v11 =	vsub.f32 $1.500000000e+00, v11  }
0x48: {  	v26 =	vmul.f32 v4, v4;
	v5 =	vld [tilespmem:s21+$0xFFFFFFD0];
	v27 =	vmul.f32 v3, v3  }
0x49: {  	v25 =	vmax.f32 v25, $1.000000020e-24;
	v24 =	vadd.f32 v6, v24;
	v6 =	vld [tilespmem:s21+$0xFFFFFFE0];
	v23 =	vmul.f32 v23, v11  }
0x4a: {  	v29 =	vmul.f32 v12, v12;
	v11 =	vld [tilespmem:s21+$0xFFFFFFF0];
	v25 =	vbroadcast v25, $0xF  }
0x4b: {  	(xrf2) =	vadd.scan.msk.f32 $0xffff, v24;
	v14 =	vmul.f32 v23, v14;
	v24 =	vadd.f32 v27, v26;
	v26 =	vmul.f32 v0, v0  }
0x4c: {  	v27 =	vadd.f32 v28, v29;
	v29 =	vshra.s32 v25, $0x1;
	v25 =	vmul.f32 $5.000000000e-01, v25  }
0x4d: {  	v28 =	vmul.f32 v5, v5;
	v14 =	vmul.f32 v14, v23  }
0x4e: {  	v26 =	vadd.f32 v26, v27;
	v27 =	vsub.s32 $0x5F3759DF, v29;
	v40 =	vmul.f32 v6, v6  }
0x4f: {  	v29 =	vmul.f32 v11, v11;
	v24 =	vadd.f32 v28, v24;
	v14 =	vsub.f32 $1.500000000e+00, v14  }
0x50: {  	v28 =	vmul.f32 v27, v25  }
0x51: {  	s23 =	simm.s32 $0x480;
	v26 =	vadd.f32 v40, v26;
	v24 =	vadd.f32 v29, v24;
	v29 =	vmul.f32 v14, v23  }
0x52: {  	v28 =	vmul.f32 v27, v28;
	v14 =	vld [tilespmem:s23+$0x0]  }
0x53: {  	v23 =	vadd.f32 v24, v26;
	v40 =	vmul.f32 v29, v15;
	v15 =	vld [tilespmem:s23+$0x10]  }
0x54: {  	v24 =	vsub.f32 $1.500000000e+00, v28;
	v41 =	vmul.f32 v29, v16;
	v16 =	vld [tilespmem:s23+$0x20];
	v42 =	vmul.f32 v29, v17  }
0x55: {  	v43 =	vmul.f32 v29, v21;
	v17 =	vld [tilespmem:s23+$0x30];
	v44 =	vmul.f32 v29, v19;
	v26, _, _ =	vpop (xrf2)  }
0x56: {  	v19 =	vld [tilespmem:s23+$0x40];
	v45 =	vmul.f32 v29, v20;
	v27 =	vmul.f32 v27, v24;
	(xrf2) =	vadd.scan.msk.f32 $0xffff, v23;
	v23 =	vadd.f32 $0.0e+00, v26  }
0x57: {  	v20 =	vld [tilespmem:s23+$0x50];
	v46 =	vmul.f32 v29, v18;
	v52 =	vmul.f32 v29, v22  }
0x58: {  	v22 =	vld [tilespmem:s23+$0xFFFFFF80];
	v21 =	vmul.f32 v27, v25;
	v25 =	vmul.f32 v14, v14;
	v23 =	vmax.f32 v23, $1.000000020e-24  }
0x59: {  	v24 =	vld [tilespmem:s23+$0xFFFFFFA0];
	v48 =	vmul.f32 v16, v16;
	v23 =	vbroadcast v23, $0xF  }
0x5a: {  	v26 =	vmul.f32 v21, v27;
	v21 =	vld [tilespmem:s23+$0x60];
	v28 =	vmul.f32 v15, v15  }
0x5b: {  	v29 =	vadd.f32 v48, v25;
	v25 =	vld [tilespmem:s23+$0xFFFFFFB0];
	v18 =	vshra.s32 v23, $0x1;
	v47 =	vmul.f32 $5.000000000e-01, v23  }
0x5c: {  	v50 =	vmul.f32 v17, v17;
	v59 =	vmul.f32 v19, v19;
	v23 =	vld [tilespmem:s23+$0x70];
	v49 =	vsub.s32 $0x5F3759DF, v18  }
0x5d: {  	v54 =	vmul.f32 v20, v20;
	v53 =	vsub.f32 $1.500000000e+00, v26;
	v18 =	vld [tilespmem:s23+$0xFFFFFF90];
	v51 =	vmul.f32 v49, v47  }
0x5e: {  	v63 =	vmul.f32 v22, v22;
	v62 =	vmul.f32 v24, v24;
	v28 =	vadd.f32 v50, v28  }
0x5f: {  	v53 =	vmul.f32 v53, v27;
	v60 =	vmul.f32 v49, v51  }
0x60: {  	v48 =	vadd.f32 v59, v29;
	v54 =	vadd.f32 v54, v28;
	v55 =	vmul.f32 v21, v21  }
0x61: {  	v26 =	vld [tilespmem:s23+$0xFFFFFFC0];
	v35 =	vmul.f32 v53, v35;
	v56 =	vmul.f32 v23, v23;
	v50 =	vsub.f32 $1.500000000e+00, v60  }
0x62: {  	v29 =	vld [tilespmem:s23+$0xFFFFFFD0];
	v27 =	vmul.f32 v25, v25;
	v57 =	vmul.f32 v18, v18  }
0x63: {  	v28 =	vld [tilespmem:s23+$0xFFFFFFE0];
	v61, _, _ =	vpop (xrf2);
	v48 =	vadd.f32 v55, v48;
	v49 =	vmul.f32 v49, v50;
	v50 =	vadd.f32 v56, v54  }
0x64: {  	v51 =	vadd.f32 $0.0e+00, v61;
	v59 =	vadd.f32 v27, v57  }
0x65: {  	[tilespmem:s22+$0xFFFFFF90] =	vst v35;
	v35 =	vmul.f32 v53, v34;
	v27 =	vld [tilespmem:s23+$0xFFFFFFF0];
	v54 =	vadd.f32 v62, v63;
	v62 =	vadd.f32 v50, v48  }
0x66: {  	[tilespmem:s22+$0x70] =	vst v40;
	v60 =	vmul.f32 v26, v26;
	v58 =	vmax.f32 v51, $1.000000020e-24;
	v47 =	vmul.f32 v49, v47  }
0x67: {  	[tilespmem:s22+$0x0] =	vst v41;
	v61 =	vmul.f32 v29, v29;
	v40 =	vbroadcast v58, $0xF;
	(xrf2) =	vadd.scan.msk.f32 $0xffff, v62  }
0x68: {  	[tilespmem:s22+$0x10] =	vst v42;
	v55 =	vmul.f32 v28, v28;
	v63 =	vadd.f32 v60, v54;
	v47 =	vmul.f32 v47, v49  }
0x69: {  	[tilespmem:s22+$0x20] =	vst v43;
	v54 =	vadd.f32 v61, v59;
	v56 =	vshra.s32 v40, $0x1;
	v40 =	vmul.f32 $5.000000000e-01, v40  }
0x6a: {  	[tilespmem:s22+$0x30] =	vst v44;
	v41 =	vsub.s32 $0x5F3759DF, v56;
	v58 =	vmul.f32 v27, v27;
	v57 =	vsub.f32 $1.500000000e+00, v47  }
0x6b: {  	[tilespmem:s22+$0x40] =	vst v45;
	v59 =	vmul.f32 v53, v38;
	v60 =	vmul.f32 v41, v40  }
0x6c: {  	[tilespmem:s22+$0x50] =	vst v46;
	v43 =	vadd.f32 v55, v63;
	v45 =	vadd.f32 v58, v54;
	v38 =	vmul.f32 v57, v49  }
0x6d: {  	[tilespmem:s22+$0x60] =	vst v52;
	v61 =	vmul.f32 v53, v36;
	v62 =	vmul.f32 v41, v60  }
0x6e: {  	v34 =	vmul.f32 v53, v32;
	[tilespmem:s22+$0xFFFFFF80] =	vst v59;
	v43 =	vadd.f32 v45, v43;
	v63 =	vmul.f32 v38, v39  }
0x6f: {  	v32 =	vmul.f32 v53, v33;
	v36 =	vmul.f32 v53, v31;
	[tilespmem:s22+$0xFFFFFFA0] =	vst v61;
	v39 =	vsub.f32 $1.500000000e+00, v62  }
0x70: {  	s24 =	simm.s32 $0x4;
	s25 =	simm.s32 $0x580;
	v33 =	vmul.f32 v53, v30;
	v31 =	vmul.f32 v38, v37;
	(xrf2) =	vadd.scan.msk.f32 $0xffff, v43;
	[tilespmem:s21+$0x70] =	vst v63  }
.LBB2_2:
0x71: {  	v30 =	vld [tilespmem:s25+$0x0];
	v37, _, _ =	vpop (xrf2);
	v39 =	vmul.f32 v41, v39;
	v41 =	vmul.f32 v38, v9;
	[tilespmem:s22+$0xFFFFFFB0] =	vst v36;
	v9 =	vmov v15  }
0x72: {  	v42 =	vmul.f32 v38, v10;
	v15 =	vld [tilespmem:s25+$0x10];
	v36 =	vadd.f32 $0.0e+00, v37;
	v37 =	vmul.f32 v38, v8;
	[tilespmem:s22+$0xFFFFFFC0] =	vst v35;
	v8 =	vmovc v16  }
0x73: {  	v10 =	vmovc v17;
	v16 =	vld [tilespmem:s25+$0x20];
	v44 =	vmul.f32 v39, v40;
	v40 =	vmul.f32 v38, v7;
	[tilespmem:s22+$0xFFFFFFD0] =	vst v34;
	v7 =	vmov v19  }
0x74: {  	s24 =	sadd.s32 $0x2, s24;
	v17 =	vld [tilespmem:s25+$0x30];
	v34 =	vmax.f32 v36, $1.000000020e-24;
	v36 =	vmul.f32 v38, v1;
	v38 =	vmul.f32 v38, v2;
	[tilespmem:s22+$0xFFFFFFE0] =	vst v32;
	v1 =	vmovc v20  }
0x75: {  	p0 =	slt.u32 s24, $0xFE;
	v35 =	vmovc v3;
	v2 =	vmovc v21;
	v19 =	vld [tilespmem:s25+$0x40];
	v32 =	vbroadcast v34, $0xF;
	v34 =	vmul.f32 v44, v39;
	[tilespmem:s22+$0xFFFFFFF0] =	vst v33;
	v33 =	vmov v24;
	s22 =	smov.u32 s21;
	s21 =	smov.u32 s23  }
0x76: {  	v43 =	vmovc v5;
	v5 =	vmovc v29;
	v3 =	vmov v25;
	s23 =	smov.u32 s25;
	v20 =	vld [tilespmem:s25+$0x50];
	[tilespmem:s22+$0x0] =	vst v31;
	v31 =	vmov v0;
	v0 =	vmov v26  }
0x77: {  	v25 =	vmul.f32 v30, v30;
	v21 =	vld [tilespmem:s25+$0x60];
	v24 =	vshra.s32 v32, $0x1;
	v32 =	vmul.f32 $5.000000000e-01, v32;
	[tilespmem:s22+$0x10] =	vst v41;
	v44 =	vmovc v6;
	v6 =	vmovc v28  }
0x78: {  	v26 =	vmul.f32 v15, v15;
	v45 =	vld [tilespmem:s25+$0x70];
	v28 =	vmul.f32 v16, v16;
	v41 =	vsub.s32 $0x5F3759DF, v24;
	[tilespmem:s22+$0x20] =	vst v37;
	v37 =	vmovc v11  }
0x79: {  	v34 =	vsub.f32 $1.500000000e+00, v34;
	v11 =	vmovc v27;
	v46 =	vld [tilespmem:s25+$0xFFFFFF90];
	v29 =	vmul.f32 v17, v17;
	v47 =	vmul.f32 v41, v32;
	[tilespmem:s22+$0x30] =	vst v42  }
0x7a: {  	v24 =	vld [tilespmem:s25+$0xFFFFFFA0];
	v27 =	vadd.f32 v28, v25;
	v28 =	vmul.f32 v19, v19;
	v42, _, _ =	vpop (xrf2);
	[tilespmem:s22+$0x40] =	vst v40  }
0x7b: {  	v25 =	vld [tilespmem:s25+$0xFFFFFFB0];
	v29 =	vadd.f32 v29, v26;
	v40 =	vmul.f32 v20, v20;
	v47 =	vmul.f32 v41, v47;
	[tilespmem:s22+$0x50] =	vst v36  }
0x7c: {  	v36 =	vld [tilespmem:s25+$0xFFFFFF80];
	v27 =	vadd.f32 v28, v27;
	v48 =	vmul.f32 v21, v21;
	v28 =	vadd.f32 $0.0e+00, v42;
	[tilespmem:s22+$0x60] =	vst v38  }
0x7d: {  	v26 =	vld [tilespmem:s25+$0xFFFFFFC0];
	v38 =	vadd.f32 v40, v29;
	v40 =	vmul.f32 v45, v45;
	v42 =	vsub.f32 $1.500000000e+00, v47  }
0x7e: {  	v50 =	vmul.f32 v34, v39;
	v29 =	vld [tilespmem:s25+$0xFFFFFFD0];
	v47 =	vmul.f32 v46, v46;
	v49 =	vmax.f32 v28, $1.000000020e-24  }
0x7f: {  	v34 =	vadd.f32 v48, v27;
	v28 =	vld [tilespmem:s25+$0xFFFFFFE0];
	v38 =	vadd.f32 v40, v38;
	v39 =	vmul.f32 v41, v42  }
0x80: {  	v40 =	vmul.f32 v24, v24;
	v27 =	vld [tilespmem:s25+$0xFFFFFFF0];
	v41 =	vmul.f32 v25, v25  }
0x81: {  	v42 =	vmul.f32 v36, v36;
	v34 =	vadd.f32 v38, v34;
	v32 =	vmul.f32 v39, v32  }
0x82: {  	v38 =	vadd.f32 v41, v47;
	v41 =	vmul.f32 v26, v26;
	v47 =	vbroadcast v49, $0xF  }
0x83: {  	v42 =	vadd.f32 v40, v42;
	v48 =	vmul.f32 v29, v29;
	(xrf2) =	vadd.scan.msk.f32 $0xffff, v34;
	v32 =	vmul.f32 v32, v39  }
0x84: {  	v34 =	vmul.f32 v28, v28;
	v49 =	vshra.s32 v47, $0x1;
	v40 =	vmul.f32 $5.000000000e-01, v47  }
0x85: {  	v42 =	vadd.f32 v41, v42;
	v47 =	vmul.f32 v27, v27;
	v32 =	vsub.f32 $1.500000000e+00, v32  }
0x86: {  	v48 =	vadd.f32 v48, v38;
	v41 =	vsub.s32 $0x5F3759DF, v49;
	v49 =	vmul.f32 v50, v12;
	v12 =	vmovc v22;
	v22 =	vmovc v36  }
0x87: {  	v36 =	vmul.f32 v41, v40;
	v34 =	vadd.f32 v34, v42;
	v38 =	vmul.f32 v32, v39  }
.Ltmp0:
0x88: {  	v32 =	vadd.f32 v47, v48;
	v39 =	vmul.f32 v50, v4;
	v42 =	vmul.f32 v50, v13;
	[tilespmem:s22+$0xFFFFFF80] =	vst v49;
	(pc) =	sbr.rel @p0 .LBB2_2-.Ltmp0, $4  }
0x89: {  	v4 =	vmovc v18;
	v18 =	vmovc v46;
	v48 =	vmul.f32 v41, v36;
	v47 =	vmul.f32 v38, v23;
	v23 =	vmov v45  }
0x8a: {  	v36 =	vmul.f32 v50, v35;
	v35 =	vmul.f32 v50, v31;
	v45 =	vadd.f32 v32, v34;
	[tilespmem:s22+$0xFFFFFF90] =	vst v39  }
0x8b: {  	v13 =	vmovc v33;
	v34 =	vmul.f32 v50, v43;
	v32 =	vmul.f32 v50, v44;
	v39 =	vsub.f32 $1.500000000e+00, v48;
	[tilespmem:s21+$0x70] =	vst v47  }
0x8c: {  	s25 =	sadd.s32 $0x100, s25;
	v33 =	vmul.f32 v50, v37;
	v31 =	vmul.f32 v38, v14;
	v14 =	vmovc v30;
	(xrf2) =	vadd.scan.msk.f32 $0xffff, v45;
	[tilespmem:s22+$0xFFFFFFA0] =	vst v42  }
0x8d: {  	v30, _, _ =	vpop (xrf2)  }
0x8e: {  	v30 =	vadd.f32 $0.0e+00, v30;
	_ =	sdelay $0x1  }
0x8f: {  	v30 =	vmax.f32 v30, $1.000000020e-24  }
0x90: {  	v30 =	vbroadcast v30, $0xF;
	_ =	sdelay $0x1  }
0x91: {  	v37 =	vshra.s32 v30, $0x1;
	v30 =	vmul.f32 $5.000000000e-01, v30  }
0x92: {  	v39 =	vmul.f32 v41, v39;
	v37 =	vsub.s32 $0x5F3759DF, v37  }
0x93: {  	[tilespmem:s22+$0xFFFFFFB0] =	vst v36;
	v42 =	vmul.f32 v37, v30  }
0x94: {  	[tilespmem:s22+$0xFFFFFFC0] =	vst v35;
	v54 =	vmul.f32 v39, v40  }
0x95: {  	v9 =	vmul.f32 v38, v9;
	[tilespmem:s22+$0xFFFFFFD0] =	vst v34;
	v55, _, _ =	vpop (xrf2);
	v42 =	vmul.f32 v37, v42  }
0x96: {  	v8 =	vmul.f32 v38, v8;
	[tilespmem:s22+$0xFFFFFFE0] =	vst v32;
	v56 =	vmul.f32 v54, v39;
	v34 =	vadd.f32 $0.0e+00, v55  }
0x97: {  	v10 =	vmul.f32 v38, v10;
	v7 =	vmul.f32 v38, v7;
	[tilespmem:s21+$0x0] =	vst v31;
	v53 =	vsub.f32 $1.500000000e+00, v42  }
0x98: {  	v1 =	vmul.f32 v38, v1;
	[tilespmem:s21+$0x10] =	vst v9;
	v31 =	vsub.f32 $1.500000000e+00, v56;
	v57 =	vmax.f32 v34, $1.000000020e-24  }
0x99: {  	[tilespmem:s21+$0x20] =	vst v8;
	v9 =	vbroadcast v57, $0xF;
	v36 =	vmul.f32 v37, v53  }
0x9a: {  	v2 =	vmul.f32 v38, v2;
	[tilespmem:s21+$0x30] =	vst v10;
	v8 =	vmul.f32 v31, v39  }
0x9b: {  	[tilespmem:s21+$0x40] =	vst v7;
	v10 =	vshra.s32 v9, $0x1;
	v9 =	vmul.f32 $5.000000000e-01, v9;
	v30 =	vmul.f32 v36, v30  }
0x9c: {  	[tilespmem:s21+$0x60] =	vst v2;
	v2 =	vmul.f32 v8, v4;
	v7 =	vsub.s32 $0x5F3759DF, v10  }
0x9d: {  	[tilespmem:s21+$0x50] =	vst v1;
	v1 =	vmul.f32 v7, v9;
	v30 =	vmul.f32 v30, v36  }
0x9e: {  	[tilespmem:s22+$0xFFFFFFF0] =	vst v33;
	v0 =	vmul.f32 v8, v0  }
0x9f: {  	[tilespmem:s21+$0xFFFFFF90] =	vst v2;
	v2 =	vmul.f32 v8, v3;
	v1 =	vmul.f32 v7, v1;
	v30 =	vsub.f32 $1.500000000e+00, v30  }
0xa0: {  	v3 =	vmul.f32 v8, v5;
	[tilespmem:s21+$0xFFFFFFC0] =	vst v0;
	v0 =	vmul.f32 v8, v11  }
0xa1: {  	[tilespmem:s21+$0xFFFFFFB0] =	vst v2;
	v10 =	vmul.f32 v8, v12;
	v1 =	vsub.f32 $1.500000000e+00, v1;
	v12 =	vmul.f32 v30, v36  }
0xa2: {  	[tilespmem:s21+$0xFFFFFFD0] =	vst v3  }
0xa3: {  	[tilespmem:s21+$0xFFFFFFF0] =	vst v0;
	v1 =	vmul.f32 v7, v1;
	v4 =	vmul.f32 v12, v23  }
0xa4: {  	v2 =	vmul.f32 v8, v6;
	[tilespmem:s21+$0xFFFFFF80] =	vst v10  }
0xa5: {  	v10 =	vmul.f32 v8, v13;
	[tilespmem:s23+$0x70] =	vst v4;
	v4 =	vmul.f32 v1, v9  }
0xa6: {  	[tilespmem:s21+$0xFFFFFFE0] =	vst v2;
	v3 =	vmul.f32 v12, v14  }
0xa7: {  	[tilespmem:s21+$0xFFFFFFA0] =	vst v10;
	v2 =	vmul.f32 v12, v15;
	v4 =	vmul.f32 v4, v1  }
0xa8: {  	v0 =	vmul.f32 v12, v16;
	[tilespmem:s23+$0x0] =	vst v3  }
0xa9: {  	v3 =	vmul.f32 v12, v17;
	[tilespmem:s23+$0x10] =	vst v2;
	v2 =	vsub.f32 $1.500000000e+00, v4  }
0xaa: {  	[tilespmem:s23+$0x20] =	vst v0;
	v0 =	vmul.f32 v12, v20  }
0xab: {  	[tilespmem:s23+$0x30] =	vst v3;
	v4 =	vmul.f32 v12, v19;
	v1 =	vmul.f32 v2, v1  }
0xac: {  	[tilespmem:s23+$0x50] =	vst v0;
	v2 =	vmul.f32 v12, v21  }
0xad: {  	[tilespmem:s23+$0x40] =	vst v4;
	v0 =	vmul.f32 v1, v22  }
0xae: {  	[tilespmem:s23+$0x60] =	vst v2;
	v2 =	vmul.f32 v1, v18  }
0xaf: {  	v3 =	vmul.f32 v1, v26;
	[tilespmem:s23+$0xFFFFFF80] =	vst v0  }
0xb0: {  	v0 =	vmul.f32 v1, v24;
	[tilespmem:s23+$0xFFFFFF90] =	vst v2  }
0xb1: {  	v2 =	vmul.f32 v1, v25;
	[tilespmem:s23+$0xFFFFFFC0] =	vst v3  }
0xb2: {  	[tilespmem:s23+$0xFFFFFFA0] =	vst v0;
	v0 =	vmul.f32 v1, v29  }
0xb3: {  	[tilespmem:s23+$0xFFFFFFB0] =	vst v2;
	v2 =	vmul.f32 v1, v28  }
0xb4: {  	v1 =	vmul.f32 v1, v27;
	[tilespmem:s23+$0xFFFFFFD0] =	vst v0  }
0xb5: {  	[tilespmem:s23+$0xFFFFFFE0] =	vst v2  }
0xb6: {  	[tilespmem:s23+$0xFFFFFFF0] =	vst v1  }
0xb7: {  	[hbm4b:s5+s3] =	stream.linear.scatter [tilespmem:s13], [sflag:$0x3], $0x8000, $0x38;
	[tilespmem:$0x10200] =	vst v63  }
0xb8: {  	_ =	swait.ge [sflag:s16], $0x8000  }
0xb9: {  	[sflag:s16] =	ssyncset.done $0x0  }
0xba: {  	s22 =	simm.s32 $0x8200;
	[sflag:s16] =	ssyncadd.s32 $0xFFFF8000  }
0xbb: {  	v16 =	vld [tilespmem:s22+$0x80]  }
0xbc: {  	v17 =	vld [tilespmem:s22+$0x90]  }
0xbd: {  	v21 =	vld [tilespmem:s22+$0xA0]  }
0xbe: {  	v19 =	vld [tilespmem:s22+$0xB0]  }
0xbf: {  	v20 =	vld [tilespmem:s22+$0xC0]  }
0xc0: {  	v18 =	vld [tilespmem:s22+$0xD0]  }
0xc1: {  	v22 =	vld [tilespmem:s22+$0xE0]  }
0xc2: {  	v15 =	vld [tilespmem:s22+$0xF0];
	v0 =	vmul.f32 v16, v16;
	v1 =	vmul.f32 v21, v21  }
0xc3: {  	v2 =	vmul.f32 v17, v17;
	v3 =	vmul.f32 v19, v19  }
0xc4: {  	v0 =	vadd.f32 v1, v0;
	v1 =	vmul.f32 v20, v20  }
0xc5: {  	v2 =	vadd.f32 v3, v2;
	v3 =	vmul.f32 v18, v18  }
0xc6: {  	v35 =	vld [tilespmem:s22+$0x10];
	v0 =	vadd.f32 v1, v0  }
0xc7: {  	v36 =	vld [tilespmem:s22+$0x20];
	v1 =	vmul.f32 v22, v22;
	v2 =	vadd.f32 v3, v2;
	v3 =	vmul.f32 v15, v15  }
0xc8: {  	v38 =	vld [tilespmem:s22+$0x0]  }
0xc9: {  	v31 =	vld [tilespmem:s22+$0x30];
	v0 =	vadd.f32 v1, v0;
	v1 =	vadd.f32 v3, v2  }
0xca: {  	v34 =	vld [tilespmem:s22+$0x40]  }
0xcb: {  	v32 =	vld [tilespmem:s22+$0x50];
	v0 =	vadd.f32 v1, v0  }
0xcc: {  	v33 =	vld [tilespmem:s22+$0x60]  }
0xcd: {  	v30 =	vld [tilespmem:s22+$0x70];
	v2 =	vmul.f32 v36, v36;
	v3 =	vmul.f32 v38, v38;
	(xrf2) =	vadd.scan.msk.f32 $0xffff, v0  }
0xce: {  	v1 =	vmul.f32 v31, v31;
	v0 =	vmul.f32 v35, v35  }
0xcf: {  	v2 =	vadd.f32 v2, v3  }
0xd0: {  	v3 =	vmul.f32 v32, v32;
	v0 =	vadd.f32 v1, v0;
	v1 =	vmul.f32 v34, v34  }
0xd1: {  	v4 =	vmul.f32 v33, v33  }
0xd2: {  	v1 =	vadd.f32 v1, v2;
	v2 =	vmul.f32 v30, v30;
	v0 =	vadd.f32 v3, v0  }
0xd3: {  	s21 =	simm.s32 $0x8300  }
0xd4: {  	v37 =	vld [tilespmem:s21+$0x80];
	v1 =	vadd.f32 v4, v1;
	v0 =	vadd.f32 v2, v0  }
0xd5: {  	v9 =	vld [tilespmem:s21+$0x90]  }
0xd6: {  	v8 =	vld [tilespmem:s21+$0xA0];
	v0 =	vadd.f32 v0, v1  }
0xd7: {  	v10 =	vld [tilespmem:s21+$0xB0];
	v2, _, _ =	vpop (xrf2)  }
0xd8: {  	v7 =	vld [tilespmem:s21+$0xC0];
	(xrf2) =	vadd.scan.msk.f32 $0xffff, v0;
	v1 =	vadd.f32 $0.0e+00, v2  }
0xd9: {  	v2 =	vld [tilespmem:s21+$0xE0]  }
0xda: {  	v0 =	vmax.f32 v1, $1.000000020e-24;
	v1 =	vld [tilespmem:s21+$0xD0]  }
0xdb: {  	v6 =	vmul.f32 v9, v9;
	v0 =	vbroadcast v0, $0xF  }
0xdc: {  	v3 =	vmul.f32 v37, v37;
	v4 =	vmul.f32 v8, v8  }
0xdd: {  	v39 =	vld [tilespmem:s21+$0xF0];
	v11 =	vmul.f32 v10, v10;
	v5 =	vshra.s32 v0, $0x1;
	v14 =	vmul.f32 $5.000000000e-01, v0  }
0xde: {  	v13 =	vld [tilespmem:s21+$0x20];
	v0 =	vadd.f32 v4, v3;
	v3 =	vmul.f32 v7, v7;
	v25 =	vmul.f32 v2, v2  }
0xdf: {  	v4 =	vld [tilespmem:s21+$0x10];
	v23 =	vsub.s32 $0x5F3759DF, v5;
	v5 =	vadd.f32 v11, v6;
	v6 =	vmul.f32 v1, v1  }
0xe0: {  	v11 =	vmul.f32 v23, v14;
	v24 =	vadd.f32 v3, v0;
	v3 =	vld [tilespmem:s21+$0x30]  }
0xe1: {  	v5 =	vadd.f32 v6, v5  }
0xe2: {  	v12 =	vld [tilespmem:s21+$0x0];
	v6 =	vmul.f32 v39, v39;
	v11 =	vmul.f32 v23, v11;
	v24 =	vadd.f32 v25, v24;
	v25, _, _ =	vpop (xrf2)  }
0xe3: {  	v0 =	vld [tilespmem:s21+$0x40];
	v25 =	vadd.f32 $0.0e+00, v25  }
0xe4: {  	v28 =	vmul.f32 v13, v13;
	v6 =	vadd.f32 v6, v5;
	v11 =	vsub.f32 $1.500000000e+00, v11  }
0xe5: {  	v26 =	vmul.f32 v4, v4;
	v5 =	vld [tilespmem:s21+$0x50];
	v27 =	vmul.f32 v3, v3  }
0xe6: {  	v25 =	vmax.f32 v25, $1.000000020e-24;
	v24 =	vadd.f32 v6, v24;
	v6 =	vld [tilespmem:s21+$0x60];
	v23 =	vmul.f32 v23, v11  }
0xe7: {  	v29 =	vmul.f32 v12, v12;
	v11 =	vld [tilespmem:s21+$0x70];
	v25 =	vbroadcast v25, $0xF  }
0xe8: {  	(xrf2) =	vadd.scan.msk.f32 $0xffff, v24;
	v14 =	vmul.f32 v23, v14;
	v24 =	vadd.f32 v27, v26;
	v26 =	vmul.f32 v0, v0  }
0xe9: {  	v27 =	vadd.f32 v28, v29;
	v29 =	vshra.s32 v25, $0x1;
	v25 =	vmul.f32 $5.000000000e-01, v25  }
0xea: {  	v28 =	vmul.f32 v5, v5;
	v14 =	vmul.f32 v14, v23  }
0xeb: {  	v26 =	vadd.f32 v26, v27;
	v27 =	vsub.s32 $0x5F3759DF, v29;
	v58 =	vmul.f32 v6, v6  }
0xec: {  	v29 =	vmul.f32 v11, v11;
	v24 =	vadd.f32 v28, v24;
	v14 =	vsub.f32 $1.500000000e+00, v14  }
0xed: {  	v28 =	vmul.f32 v27, v25  }
0xee: {  	s23 =	simm.s32 $0x8400;
	v26 =	vadd.f32 v58, v26;
	v24 =	vadd.f32 v29, v24;
	v29 =	vmul.f32 v14, v23  }
0xef: {  	v28 =	vmul.f32 v27, v28;
	v14 =	vld [tilespmem:s23+$0x80]  }
0xf0: {  	v23 =	vadd.f32 v24, v26;
	v40 =	vmul.f32 v29, v15;
	v15 =	vld [tilespmem:s23+$0x90]  }
0xf1: {  	v24 =	vsub.f32 $1.500000000e+00, v28;
	v41 =	vmul.f32 v29, v16;
	v16 =	vld [tilespmem:s23+$0xA0];
	v42 =	vmul.f32 v29, v17  }
0xf2: {  	v43 =	vmul.f32 v29, v21;
	v17 =	vld [tilespmem:s23+$0xB0];
	v44 =	vmul.f32 v29, v19;
	v26, _, _ =	vpop (xrf2)  }
0xf3: {  	v19 =	vld [tilespmem:s23+$0xC0];
	v45 =	vmul.f32 v29, v20;
	v27 =	vmul.f32 v27, v24;
	(xrf2) =	vadd.scan.msk.f32 $0xffff, v23;
	v23 =	vadd.f32 $0.0e+00, v26  }
0xf4: {  	v20 =	vld [tilespmem:s23+$0xD0];
	v46 =	vmul.f32 v29, v18;
	v52 =	vmul.f32 v29, v22  }
0xf5: {  	v22 =	vld [tilespmem:s23+$0x0];
	v21 =	vmul.f32 v27, v25;
	v25 =	vmul.f32 v14, v14;
	v23 =	vmax.f32 v23, $1.000000020e-24  }
0xf6: {  	v24 =	vld [tilespmem:s23+$0x20];
	v48 =	vmul.f32 v16, v16;
	v23 =	vbroadcast v23, $0xF  }
0xf7: {  	v26 =	vmul.f32 v21, v27;
	v21 =	vld [tilespmem:s23+$0xE0];
	v28 =	vmul.f32 v15, v15  }
0xf8: {  	v29 =	vadd.f32 v48, v25;
	v25 =	vld [tilespmem:s23+$0x30];
	v18 =	vshra.s32 v23, $0x1;
	v47 =	vmul.f32 $5.000000000e-01, v23  }
0xf9: {  	v50 =	vmul.f32 v17, v17;
	v59 =	vmul.f32 v19, v19;
	v23 =	vld [tilespmem:s23+$0xF0];
	v49 =	vsub.s32 $0x5F3759DF, v18  }
0xfa: {  	v54 =	vmul.f32 v20, v20;
	v53 =	vsub.f32 $1.500000000e+00, v26;
	v18 =	vld [tilespmem:s23+$0x10];
	v51 =	vmul.f32 v49, v47  }
0xfb: {  	v63 =	vmul.f32 v22, v22;
	v62 =	vmul.f32 v24, v24;
	v28 =	vadd.f32 v50, v28  }
0xfc: {  	v53 =	vmul.f32 v53, v27;
	v60 =	vmul.f32 v49, v51  }
0xfd: {  	v48 =	vadd.f32 v59, v29;
	v54 =	vadd.f32 v54, v28;
	v55 =	vmul.f32 v21, v21  }
0xfe: {  	v26 =	vld [tilespmem:s23+$0x40];
	v35 =	vmul.f32 v53, v35;
	v56 =	vmul.f32 v23, v23;
	v50 =	vsub.f32 $1.500000000e+00, v60  }
0xff: {  	v29 =	vld [tilespmem:s23+$0x50];
	v27 =	vmul.f32 v25, v25;
	v57 =	vmul.f32 v18, v18  }
0x100: {  	v28 =	vld [tilespmem:s23+$0x60];
	v61, _, _ =	vpop (xrf2);
	v48 =	vadd.f32 v55, v48;
	v49 =	vmul.f32 v49, v50;
	v50 =	vadd.f32 v56, v54  }
0x101: {  	v51 =	vadd.f32 $0.0e+00, v61;
	v59 =	vadd.f32 v27, v57  }
0x102: {  	[tilespmem:s22+$0x10] =	vst v35;
	v35 =	vmul.f32 v53, v34;
	v27 =	vld [tilespmem:s23+$0x70];
	v54 =	vadd.f32 v62, v63;
	v62 =	vadd.f32 v50, v48  }
0x103: {  	[tilespmem:s22+$0xF0] =	vst v40;
	v60 =	vmul.f32 v26, v26;
	v58 =	vmax.f32 v51, $1.000000020e-24;
	v47 =	vmul.f32 v49, v47  }
0x104: {  	[tilespmem:s22+$0x80] =	vst v41;
	v61 =	vmul.f32 v29, v29;
	v40 =	vbroadcast v58, $0xF;
	(xrf2) =	vadd.scan.msk.f32 $0xffff, v62  }
0x105: {  	[tilespmem:s22+$0x90] =	vst v42;
	v55 =	vmul.f32 v28, v28;
	v63 =	vadd.f32 v60, v54;
	v47 =	vmul.f32 v47, v49  }
0x106: {  	[tilespmem:s22+$0xA0] =	vst v43;
	v54 =	vadd.f32 v61, v59;
	v56 =	vshra.s32 v40, $0x1;
	v40 =	vmul.f32 $5.000000000e-01, v40  }
0x107: {  	[tilespmem:s22+$0xB0] =	vst v44;
	v41 =	vsub.s32 $0x5F3759DF, v56;
	v58 =	vmul.f32 v27, v27;
	v57 =	vsub.f32 $1.500000000e+00, v47  }
0x108: {  	[tilespmem:s22+$0xC0] =	vst v45;
	v59 =	vmul.f32 v53, v38;
	v60 =	vmul.f32 v41, v40  }
0x109: {  	[tilespmem:s22+$0xD0] =	vst v46;
	v43 =	vadd.f32 v55, v63;
	v45 =	vadd.f32 v58, v54;
	v38 =	vmul.f32 v57, v49  }
0x10a: {  	[tilespmem:s22+$0xE0] =	vst v52;
	v61 =	vmul.f32 v53, v36;
	v62 =	vmul.f32 v41, v60  }
0x10b: {  	v34 =	vmul.f32 v53, v32;
	[tilespmem:s22+$0x0] =	vst v59;
	v43 =	vadd.f32 v45, v43;
	v63 =	vmul.f32 v38, v39  }
0x10c: {  	v32 =	vmul.f32 v53, v33;
	v36 =	vmul.f32 v53, v31;
	[tilespmem:s22+$0x20] =	vst v61;
	v39 =	vsub.f32 $1.500000000e+00, v62  }
0x10d: {  	s24 =	simm.s32 $0x104;
	s25 =	simm.s32 $0x8500;
	v33 =	vmul.f32 v53, v30;
	v31 =	vmul.f32 v38, v37;
	(xrf2) =	vadd.scan.msk.f32 $0xffff, v43;
	[tilespmem:s21+$0xF0] =	vst v63  }
.LBB2_4:
0x10e: {  	v30 =	vld [tilespmem:s25+$0x80];
	v37, _, _ =	vpop (xrf2);
	v39 =	vmul.f32 v41, v39;
	v41 =	vmul.f32 v38, v9;
	[tilespmem:s22+$0x30] =	vst v36;
	v9 =	vmov v15  }
0x10f: {  	v42 =	vmul.f32 v38, v10;
	v15 =	vld [tilespmem:s25+$0x90];
	v36 =	vadd.f32 $0.0e+00, v37;
	v37 =	vmul.f32 v38, v8;
	[tilespmem:s22+$0x40] =	vst v35;
	v8 =	vmovc v16  }
0x110: {  	v10 =	vmovc v17;
	v16 =	vld [tilespmem:s25+$0xA0];
	v44 =	vmul.f32 v39, v40;
	v40 =	vmul.f32 v38, v7;
	[tilespmem:s22+$0x50] =	vst v34;
	v7 =	vmov v19  }
0x111: {  	s24 =	sadd.s32 $0x2, s24;
	v17 =	vld [tilespmem:s25+$0xB0];
	v34 =	vmax.f32 v36, $1.000000020e-24;
	v36 =	vmul.f32 v38, v1;
	v38 =	vmul.f32 v38, v2;
	[tilespmem:s22+$0x60] =	vst v32;
	v1 =	vmovc v20  }
0x112: {  	p0 =	slt.u32 s24, $0x17E;
	v35 =	vmovc v3;
	v2 =	vmovc v21;
	v19 =	vld [tilespmem:s25+$0xC0];
	v32 =	vbroadcast v34, $0xF;
	v34 =	vmul.f32 v44, v39;
	[tilespmem:s22+$0x70] =	vst v33;
	v33 =	vmov v24;
	s22 =	smov.u32 s21;
	s21 =	smov.u32 s23  }
0x113: {  	v43 =	vmovc v5;
	v5 =	vmovc v29;
	v3 =	vmov v25;
	s23 =	smov.u32 s25;
	v20 =	vld [tilespmem:s25+$0xD0];
	[tilespmem:s22+$0x80] =	vst v31;
	v31 =	vmov v0;
	v0 =	vmov v26  }
0x114: {  	v25 =	vmul.f32 v30, v30;
	v21 =	vld [tilespmem:s25+$0xE0];
	v24 =	vshra.s32 v32, $0x1;
	v32 =	vmul.f32 $5.000000000e-01, v32;
	[tilespmem:s22+$0x90] =	vst v41;
	v44 =	vmovc v6;
	v6 =	vmovc v28  }
0x115: {  	v26 =	vmul.f32 v15, v15;
	v45 =	vld [tilespmem:s25+$0xF0];
	v28 =	vmul.f32 v16, v16;
	v41 =	vsub.s32 $0x5F3759DF, v24;
	[tilespmem:s22+$0xA0] =	vst v37;
	v37 =	vmovc v11  }
0x116: {  	v34 =	vsub.f32 $1.500000000e+00, v34;
	v11 =	vmovc v27;
	v46 =	vld [tilespmem:s25+$0x10];
	v29 =	vmul.f32 v17, v17;
	v47 =	vmul.f32 v41, v32;
	[tilespmem:s22+$0xB0] =	vst v42  }
0x117: {  	v24 =	vld [tilespmem:s25+$0x20];
	v27 =	vadd.f32 v28, v25;
	v28 =	vmul.f32 v19, v19;
	v42, _, _ =	vpop (xrf2);
	[tilespmem:s22+$0xC0] =	vst v40  }
0x118: {  	v25 =	vld [tilespmem:s25+$0x30];
	v29 =	vadd.f32 v29, v26;
	v40 =	vmul.f32 v20, v20;
	v47 =	vmul.f32 v41, v47;
	[tilespmem:s22+$0xD0] =	vst v36  }
0x119: {  	v36 =	vld [tilespmem:s25+$0x0];
	v27 =	vadd.f32 v28, v27;
	v48 =	vmul.f32 v21, v21;
	v28 =	vadd.f32 $0.0e+00, v42;
	[tilespmem:s22+$0xE0] =	vst v38  }
0x11a: {  	v26 =	vld [tilespmem:s25+$0x40];
	v38 =	vadd.f32 v40, v29;
	v40 =	vmul.f32 v45, v45;
	v42 =	vsub.f32 $1.500000000e+00, v47  }
0x11b: {  	v50 =	vmul.f32 v34, v39;
	v29 =	vld [tilespmem:s25+$0x50];
	v47 =	vmul.f32 v46, v46;
	v49 =	vmax.f32 v28, $1.000000020e-24  }
0x11c: {  	v34 =	vadd.f32 v48, v27;
	v28 =	vld [tilespmem:s25+$0x60];
	v38 =	vadd.f32 v40, v38;
	v39 =	vmul.f32 v41, v42  }
0x11d: {  	v40 =	vmul.f32 v24, v24;
	v27 =	vld [tilespmem:s25+$0x70];
	v41 =	vmul.f32 v25, v25  }
0x11e: {  	v42 =	vmul.f32 v36, v36;
	v34 =	vadd.f32 v38, v34;
	v32 =	vmul.f32 v39, v32  }
0x11f: {  	v38 =	vadd.f32 v41, v47;
	v41 =	vmul.f32 v26, v26;
	v47 =	vbroadcast v49, $0xF  }
0x120: {  	v42 =	vadd.f32 v40, v42;
	v48 =	vmul.f32 v29, v29;
	(xrf2) =	vadd.scan.msk.f32 $0xffff, v34;
	v32 =	vmul.f32 v32, v39  }
0x121: {  	v34 =	vmul.f32 v28, v28;
	v49 =	vshra.s32 v47, $0x1;
	v40 =	vmul.f32 $5.000000000e-01, v47  }
0x122: {  	v42 =	vadd.f32 v41, v42;
	v47 =	vmul.f32 v27, v27;
	v32 =	vsub.f32 $1.500000000e+00, v32  }
0x123: {  	v48 =	vadd.f32 v48, v38;
	v41 =	vsub.s32 $0x5F3759DF, v49;
	v49 =	vmul.f32 v50, v12;
	v12 =	vmovc v22;
	v22 =	vmovc v36  }
0x124: {  	v36 =	vmul.f32 v41, v40;
	v34 =	vadd.f32 v34, v42;
	v38 =	vmul.f32 v32, v39  }
.Ltmp1:
0x125: {  	v32 =	vadd.f32 v47, v48;
	v39 =	vmul.f32 v50, v4;
	v42 =	vmul.f32 v50, v13;
	[tilespmem:s22+$0x0] =	vst v49;
	(pc) =	sbr.rel @p0 .LBB2_4-.Ltmp1, $4  }
0x126: {  	v4 =	vmovc v18;
	v18 =	vmovc v46;
	v48 =	vmul.f32 v41, v36;
	v47 =	vmul.f32 v38, v23;
	v23 =	vmov v45  }
0x127: {  	v36 =	vmul.f32 v50, v35;
	v35 =	vmul.f32 v50, v31;
	v45 =	vadd.f32 v32, v34;
	[tilespmem:s22+$0x10] =	vst v39  }
0x128: {  	v13 =	vmovc v33;
	v34 =	vmul.f32 v50, v43;
	v32 =	vmul.f32 v50, v44;
	v39 =	vsub.f32 $1.500000000e+00, v48;
	[tilespmem:s21+$0xF0] =	vst v47  }
0x129: {  	s25 =	sadd.s32 $0x100, s25;
	v33 =	vmul.f32 v50, v37;
	v31 =	vmul.f32 v38, v14;
	v14 =	vmovc v30;
	(xrf2) =	vadd.scan.msk.f32 $0xffff, v45;
	[tilespmem:s22+$0x20] =	vst v42  }
0x12a: {  	v30, _, _ =	vpop (xrf2)  }
0x12b: {  	v30 =	vadd.f32 $0.0e+00, v30;
	_ =	sdelay $0x1  }
0x12c: {  	v30 =	vmax.f32 v30, $1.000000020e-24  }
0x12d: {  	v30 =	vbroadcast v30, $0xF;
	_ =	sdelay $0x1  }
0x12e: {  	v37 =	vshra.s32 v30, $0x1;
	v30 =	vmul.f32 $5.000000000e-01, v30  }
0x12f: {  	v39 =	vmul.f32 v41, v39;
	v37 =	vsub.s32 $0x5F3759DF, v37  }
0x130: {  	[tilespmem:s22+$0x30] =	vst v36;
	v42 =	vmul.f32 v37, v30  }
0x131: {  	[tilespmem:s22+$0x40] =	vst v35;
	v54 =	vmul.f32 v39, v40  }
0x132: {  	v9 =	vmul.f32 v38, v9;
	[tilespmem:s22+$0x50] =	vst v34;
	v55, _, _ =	vpop (xrf2);
	v42 =	vmul.f32 v37, v42  }
0x133: {  	v8 =	vmul.f32 v38, v8;
	[tilespmem:s22+$0x60] =	vst v32;
	v56 =	vmul.f32 v54, v39;
	v34 =	vadd.f32 $0.0e+00, v55  }
0x134: {  	v10 =	vmul.f32 v38, v10;
	v7 =	vmul.f32 v38, v7;
	[tilespmem:s21+$0x80] =	vst v31;
	v53 =	vsub.f32 $1.500000000e+00, v42  }
0x135: {  	v1 =	vmul.f32 v38, v1;
	[tilespmem:s21+$0x90] =	vst v9;
	v31 =	vsub.f32 $1.500000000e+00, v56;
	v57 =	vmax.f32 v34, $1.000000020e-24  }
0x136: {  	[tilespmem:s21+$0xA0] =	vst v8;
	v9 =	vbroadcast v57, $0xF;
	v36 =	vmul.f32 v37, v53  }
0x137: {  	v2 =	vmul.f32 v38, v2;
	[tilespmem:s21+$0xB0] =	vst v10;
	v8 =	vmul.f32 v31, v39  }
0x138: {  	[tilespmem:s21+$0xC0] =	vst v7;
	v10 =	vshra.s32 v9, $0x1;
	v9 =	vmul.f32 $5.000000000e-01, v9;
	v30 =	vmul.f32 v36, v30  }
0x139: {  	[tilespmem:s21+$0xE0] =	vst v2;
	v2 =	vmul.f32 v8, v4;
	v7 =	vsub.s32 $0x5F3759DF, v10  }
0x13a: {  	[tilespmem:s21+$0xD0] =	vst v1;
	v1 =	vmul.f32 v7, v9;
	v30 =	vmul.f32 v30, v36  }
0x13b: {  	[tilespmem:s22+$0x70] =	vst v33;
	v0 =	vmul.f32 v8, v0  }
0x13c: {  	[tilespmem:s21+$0x10] =	vst v2;
	v2 =	vmul.f32 v8, v3;
	v1 =	vmul.f32 v7, v1;
	v30 =	vsub.f32 $1.500000000e+00, v30  }
0x13d: {  	v3 =	vmul.f32 v8, v5;
	[tilespmem:s21+$0x40] =	vst v0;
	v0 =	vmul.f32 v8, v11  }
0x13e: {  	[tilespmem:s21+$0x30] =	vst v2;
	v10 =	vmul.f32 v8, v12;
	v1 =	vsub.f32 $1.500000000e+00, v1;
	v12 =	vmul.f32 v30, v36  }
0x13f: {  	[tilespmem:s21+$0x50] =	vst v3  }
0x140: {  	[tilespmem:s21+$0x70] =	vst v0;
	v1 =	vmul.f32 v7, v1;
	v4 =	vmul.f32 v12, v23  }
0x141: {  	v2 =	vmul.f32 v8, v6;
	[tilespmem:s21+$0x0] =	vst v10  }
0x142: {  	v10 =	vmul.f32 v8, v13;
	[tilespmem:s23+$0xF0] =	vst v4;
	v4 =	vmul.f32 v1, v9  }
0x143: {  	[tilespmem:s21+$0x60] =	vst v2;
	v3 =	vmul.f32 v12, v14  }
0x144: {  	[tilespmem:s21+$0x20] =	vst v10;
	v2 =	vmul.f32 v12, v15;
	v4 =	vmul.f32 v4, v1  }
0x145: {  	v0 =	vmul.f32 v12, v16;
	[tilespmem:s23+$0x80] =	vst v3  }
0x146: {  	v3 =	vmul.f32 v12, v17;
	[tilespmem:s23+$0x90] =	vst v2;
	v2 =	vsub.f32 $1.500000000e+00, v4  }
0x147: {  	[tilespmem:s23+$0xA0] =	vst v0;
	v0 =	vmul.f32 v12, v20  }
0x148: {  	[tilespmem:s23+$0xB0] =	vst v3;
	v4 =	vmul.f32 v12, v19;
	v1 =	vmul.f32 v2, v1  }
0x149: {  	[tilespmem:s23+$0xD0] =	vst v0;
	v2 =	vmul.f32 v12, v21  }
0x14a: {  	[tilespmem:s23+$0xC0] =	vst v4;
	v0 =	vmul.f32 v1, v22  }
0x14b: {  	[tilespmem:s23+$0xE0] =	vst v2;
	v2 =	vmul.f32 v1, v18  }
0x14c: {  	v3 =	vmul.f32 v1, v26;
	[tilespmem:s23+$0x0] =	vst v0  }
0x14d: {  	v0 =	vmul.f32 v1, v24;
	[tilespmem:s23+$0x10] =	vst v2  }
0x14e: {  	v2 =	vmul.f32 v1, v25;
	[tilespmem:s23+$0x40] =	vst v3  }
0x14f: {  	[tilespmem:s23+$0x20] =	vst v0;
	v0 =	vmul.f32 v1, v29  }
0x150: {  	[tilespmem:s23+$0x30] =	vst v2;
	v2 =	vmul.f32 v1, v28  }
0x151: {  	v1 =	vmul.f32 v1, v27;
	[tilespmem:s23+$0x50] =	vst v0  }
0x152: {  	[tilespmem:s23+$0x60] =	vst v2  }
0x153: {  	s22 =	simm.s32 $0xC200;
	[tilespmem:s23+$0x70] =	vst v1  }
0x154: {  	[hbm4b:s7+s3] =	stream.linear.scatter [tilespmem:s14], [sflag:$0x3], $0x4000, $0x38;
	[tilespmem:$0x10200] =	vst v63  }
0x155: {  	v16 =	vld [tilespmem:s22+$0x80]  }
0x156: {  	v17 =	vld [tilespmem:s22+$0x90]  }
0x157: {  	v21 =	vld [tilespmem:s22+$0xA0]  }
0x158: {  	v19 =	vld [tilespmem:s22+$0xB0]  }
0x159: {  	v20 =	vld [tilespmem:s22+$0xC0]  }
0x15a: {  	v18 =	vld [tilespmem:s22+$0xD0]  }
0x15b: {  	v22 =	vld [tilespmem:s22+$0xE0]  }
0x15c: {  	v15 =	vld [tilespmem:s22+$0xF0];
	v0 =	vmul.f32 v16, v16;
	v1 =	vmul.f32 v21, v21  }
0x15d: {  	v2 =	vmul.f32 v17, v17;
	v3 =	vmul.f32 v19, v19  }
0x15e: {  	v0 =	vadd.f32 v1, v0;
	v1 =	vmul.f32 v20, v20  }
0x15f: {  	v2 =	vadd.f32 v3, v2;
	v3 =	vmul.f32 v18, v18  }
0x160: {  	v35 =	vld [tilespmem:s22+$0x10];
	v0 =	vadd.f32 v1, v0  }
0x161: {  	v36 =	vld [tilespmem:s22+$0x20];
	v1 =	vmul.f32 v22, v22;
	v2 =	vadd.f32 v3, v2;
	v3 =	vmul.f32 v15, v15  }
0x162: {  	v38 =	vld [tilespmem:s22+$0x0]  }
0x163: {  	v31 =	vld [tilespmem:s22+$0x30];
	v0 =	vadd.f32 v1, v0;
	v1 =	vadd.f32 v3, v2  }
0x164: {  	v34 =	vld [tilespmem:s22+$0x40]  }
0x165: {  	v32 =	vld [tilespmem:s22+$0x50];
	v0 =	vadd.f32 v1, v0  }
0x166: {  	v33 =	vld [tilespmem:s22+$0x60]  }
0x167: {  	v30 =	vld [tilespmem:s22+$0x70];
	v2 =	vmul.f32 v36, v36;
	v3 =	vmul.f32 v38, v38;
	(xrf2) =	vadd.scan.msk.f32 $0xffff, v0  }
0x168: {  	v1 =	vmul.f32 v31, v31;
	v0 =	vmul.f32 v35, v35  }
0x169: {  	v2 =	vadd.f32 v2, v3  }
0x16a: {  	v3 =	vmul.f32 v32, v32;
	v0 =	vadd.f32 v1, v0;
	v1 =	vmul.f32 v34, v34  }
0x16b: {  	v4 =	vmul.f32 v33, v33  }
0x16c: {  	v1 =	vadd.f32 v1, v2;
	v2 =	vmul.f32 v30, v30;
	v0 =	vadd.f32 v3, v0  }
0x16d: {  	s21 =	simm.s32 $0xC300  }
0x16e: {  	v37 =	vld [tilespmem:s21+$0x80];
	v1 =	vadd.f32 v4, v1;
	v0 =	vadd.f32 v2, v0  }
0x16f: {  	v9 =	vld [tilespmem:s21+$0x90]  }
0x170: {  	v8 =	vld [tilespmem:s21+$0xA0];
	v0 =	vadd.f32 v0, v1  }
0x171: {  	v10 =	vld [tilespmem:s21+$0xB0];
	v2, _, _ =	vpop (xrf2)  }
0x172: {  	v7 =	vld [tilespmem:s21+$0xC0];
	(xrf2) =	vadd.scan.msk.f32 $0xffff, v0;
	v1 =	vadd.f32 $0.0e+00, v2  }
0x173: {  	v2 =	vld [tilespmem:s21+$0xE0]  }
0x174: {  	v0 =	vmax.f32 v1, $1.000000020e-24;
	v1 =	vld [tilespmem:s21+$0xD0]  }
0x175: {  	v6 =	vmul.f32 v9, v9;
	v0 =	vbroadcast v0, $0xF  }
0x176: {  	v3 =	vmul.f32 v37, v37;
	v4 =	vmul.f32 v8, v8  }
0x177: {  	v39 =	vld [tilespmem:s21+$0xF0];
	v11 =	vmul.f32 v10, v10;
	v5 =	vshra.s32 v0, $0x1;
	v14 =	vmul.f32 $5.000000000e-01, v0  }
0x178: {  	v13 =	vld [tilespmem:s21+$0x20];
	v0 =	vadd.f32 v4, v3;
	v3 =	vmul.f32 v7, v7;
	v25 =	vmul.f32 v2, v2  }
0x179: {  	v4 =	vld [tilespmem:s21+$0x10];
	v23 =	vsub.s32 $0x5F3759DF, v5;
	v5 =	vadd.f32 v11, v6;
	v6 =	vmul.f32 v1, v1  }
0x17a: {  	v11 =	vmul.f32 v23, v14;
	v24 =	vadd.f32 v3, v0;
	v3 =	vld [tilespmem:s21+$0x30]  }
0x17b: {  	v5 =	vadd.f32 v6, v5  }
0x17c: {  	v12 =	vld [tilespmem:s21+$0x0];
	v6 =	vmul.f32 v39, v39;
	v11 =	vmul.f32 v23, v11;
	v24 =	vadd.f32 v25, v24;
	v25, _, _ =	vpop (xrf2)  }
0x17d: {  	v0 =	vld [tilespmem:s21+$0x40];
	v25 =	vadd.f32 $0.0e+00, v25  }
0x17e: {  	v28 =	vmul.f32 v13, v13;
	v6 =	vadd.f32 v6, v5;
	v11 =	vsub.f32 $1.500000000e+00, v11  }
0x17f: {  	v26 =	vmul.f32 v4, v4;
	v5 =	vld [tilespmem:s21+$0x50];
	v27 =	vmul.f32 v3, v3  }
0x180: {  	v25 =	vmax.f32 v25, $1.000000020e-24;
	v24 =	vadd.f32 v6, v24;
	v6 =	vld [tilespmem:s21+$0x60];
	v23 =	vmul.f32 v23, v11  }
0x181: {  	v29 =	vmul.f32 v12, v12;
	v11 =	vld [tilespmem:s21+$0x70];
	v25 =	vbroadcast v25, $0xF  }
0x182: {  	(xrf2) =	vadd.scan.msk.f32 $0xffff, v24;
	v14 =	vmul.f32 v23, v14;
	v24 =	vadd.f32 v27, v26;
	v26 =	vmul.f32 v0, v0  }
0x183: {  	v27 =	vadd.f32 v28, v29;
	v29 =	vshra.s32 v25, $0x1;
	v25 =	vmul.f32 $5.000000000e-01, v25  }
0x184: {  	v28 =	vmul.f32 v5, v5;
	v14 =	vmul.f32 v14, v23  }
0x185: {  	v26 =	vadd.f32 v26, v27;
	v27 =	vsub.s32 $0x5F3759DF, v29;
	v58 =	vmul.f32 v6, v6  }
0x186: {  	v29 =	vmul.f32 v11, v11;
	v24 =	vadd.f32 v28, v24;
	v14 =	vsub.f32 $1.500000000e+00, v14  }
0x187: {  	v28 =	vmul.f32 v27, v25  }
0x188: {  	s23 =	simm.s32 $0xC400;
	v26 =	vadd.f32 v58, v26;
	v24 =	vadd.f32 v29, v24;
	v29 =	vmul.f32 v14, v23  }
0x189: {  	v28 =	vmul.f32 v27, v28;
	v14 =	vld [tilespmem:s23+$0x80]  }
0x18a: {  	v23 =	vadd.f32 v24, v26;
	v40 =	vmul.f32 v29, v15;
	v15 =	vld [tilespmem:s23+$0x90]  }
0x18b: {  	v24 =	vsub.f32 $1.500000000e+00, v28;
	v41 =	vmul.f32 v29, v16;
	v16 =	vld [tilespmem:s23+$0xA0];
	v42 =	vmul.f32 v29, v17  }
0x18c: {  	v43 =	vmul.f32 v29, v21;
	v17 =	vld [tilespmem:s23+$0xB0];
	v44 =	vmul.f32 v29, v19;
	v26, _, _ =	vpop (xrf2)  }
0x18d: {  	v19 =	vld [tilespmem:s23+$0xC0];
	v45 =	vmul.f32 v29, v20;
	v27 =	vmul.f32 v27, v24;
	(xrf2) =	vadd.scan.msk.f32 $0xffff, v23;
	v23 =	vadd.f32 $0.0e+00, v26  }
0x18e: {  	v20 =	vld [tilespmem:s23+$0xD0];
	v46 =	vmul.f32 v29, v18;
	v52 =	vmul.f32 v29, v22  }
0x18f: {  	v22 =	vld [tilespmem:s23+$0x0];
	v21 =	vmul.f32 v27, v25;
	v25 =	vmul.f32 v14, v14;
	v23 =	vmax.f32 v23, $1.000000020e-24  }
0x190: {  	v24 =	vld [tilespmem:s23+$0x20];
	v48 =	vmul.f32 v16, v16;
	v23 =	vbroadcast v23, $0xF  }
0x191: {  	v26 =	vmul.f32 v21, v27;
	v21 =	vld [tilespmem:s23+$0xE0];
	v28 =	vmul.f32 v15, v15  }
0x192: {  	v29 =	vadd.f32 v48, v25;
	v25 =	vld [tilespmem:s23+$0x30];
	v18 =	vshra.s32 v23, $0x1;
	v47 =	vmul.f32 $5.000000000e-01, v23  }
0x193: {  	v50 =	vmul.f32 v17, v17;
	v59 =	vmul.f32 v19, v19;
	v23 =	vld [tilespmem:s23+$0xF0];
	v49 =	vsub.s32 $0x5F3759DF, v18  }
0x194: {  	v54 =	vmul.f32 v20, v20;
	v53 =	vsub.f32 $1.500000000e+00, v26;
	v18 =	vld [tilespmem:s23+$0x10];
	v51 =	vmul.f32 v49, v47  }
0x195: {  	v63 =	vmul.f32 v22, v22;
	v62 =	vmul.f32 v24, v24;
	v28 =	vadd.f32 v50, v28  }
0x196: {  	v53 =	vmul.f32 v53, v27;
	v60 =	vmul.f32 v49, v51  }
0x197: {  	v48 =	vadd.f32 v59, v29;
	v54 =	vadd.f32 v54, v28;
	v55 =	vmul.f32 v21, v21  }
0x198: {  	v26 =	vld [tilespmem:s23+$0x40];
	v35 =	vmul.f32 v53, v35;
	v56 =	vmul.f32 v23, v23;
	v50 =	vsub.f32 $1.500000000e+00, v60  }
0x199: {  	v29 =	vld [tilespmem:s23+$0x50];
	v27 =	vmul.f32 v25, v25;
	v57 =	vmul.f32 v18, v18  }
0x19a: {  	v28 =	vld [tilespmem:s23+$0x60];
	v61, _, _ =	vpop (xrf2);
	v48 =	vadd.f32 v55, v48;
	v49 =	vmul.f32 v49, v50;
	v50 =	vadd.f32 v56, v54  }
0x19b: {  	v51 =	vadd.f32 $0.0e+00, v61;
	v59 =	vadd.f32 v27, v57  }
0x19c: {  	[tilespmem:s22+$0x10] =	vst v35;
	v35 =	vmul.f32 v53, v34;
	v27 =	vld [tilespmem:s23+$0x70];
	v54 =	vadd.f32 v62, v63;
	v62 =	vadd.f32 v50, v48  }
0x19d: {  	[tilespmem:s22+$0xF0] =	vst v40;
	v60 =	vmul.f32 v26, v26;
	v58 =	vmax.f32 v51, $1.000000020e-24;
	v47 =	vmul.f32 v49, v47  }
0x19e: {  	[tilespmem:s22+$0x80] =	vst v41;
	v61 =	vmul.f32 v29, v29;
	v40 =	vbroadcast v58, $0xF;
	(xrf2) =	vadd.scan.msk.f32 $0xffff, v62  }
0x19f: {  	[tilespmem:s22+$0x90] =	vst v42;
	v55 =	vmul.f32 v28, v28;
	v63 =	vadd.f32 v60, v54;
	v47 =	vmul.f32 v47, v49  }
0x1a0: {  	[tilespmem:s22+$0xA0] =	vst v43;
	v54 =	vadd.f32 v61, v59;
	v56 =	vshra.s32 v40, $0x1;
	v40 =	vmul.f32 $5.000000000e-01, v40  }
0x1a1: {  	[tilespmem:s22+$0xB0] =	vst v44;
	v41 =	vsub.s32 $0x5F3759DF, v56;
	v58 =	vmul.f32 v27, v27;
	v57 =	vsub.f32 $1.500000000e+00, v47  }
0x1a2: {  	[tilespmem:s22+$0xC0] =	vst v45;
	v59 =	vmul.f32 v53, v38;
	v60 =	vmul.f32 v41, v40  }
0x1a3: {  	[tilespmem:s22+$0xD0] =	vst v46;
	v43 =	vadd.f32 v55, v63;
	v45 =	vadd.f32 v58, v54;
	v38 =	vmul.f32 v57, v49  }
0x1a4: {  	[tilespmem:s22+$0xE0] =	vst v52;
	v61 =	vmul.f32 v53, v36;
	v62 =	vmul.f32 v41, v60  }
0x1a5: {  	v34 =	vmul.f32 v53, v32;
	[tilespmem:s22+$0x0] =	vst v59;
	v43 =	vadd.f32 v45, v43;
	v63 =	vmul.f32 v38, v39  }
0x1a6: {  	v32 =	vmul.f32 v53, v33;
	v36 =	vmul.f32 v53, v31;
	[tilespmem:s22+$0x20] =	vst v61;
	v39 =	vsub.f32 $1.500000000e+00, v62  }
0x1a7: {  	s24 =	simm.s32 $0x184;
	s25 =	simm.s32 $0xC500;
	v33 =	vmul.f32 v53, v30;
	v31 =	vmul.f32 v38, v37;
	(xrf2) =	vadd.scan.msk.f32 $0xffff, v43;
	[tilespmem:s21+$0xF0] =	vst v63  }
.LBB2_6:
0x1a8: {  	v30 =	vld [tilespmem:s25+$0x80];
	v37, _, _ =	vpop (xrf2);
	v39 =	vmul.f32 v41, v39;
	v41 =	vmul.f32 v38, v9;
	[tilespmem:s22+$0x30] =	vst v36;
	v9 =	vmov v15  }
0x1a9: {  	v42 =	vmul.f32 v38, v10;
	v15 =	vld [tilespmem:s25+$0x90];
	v36 =	vadd.f32 $0.0e+00, v37;
	v37 =	vmul.f32 v38, v8;
	[tilespmem:s22+$0x40] =	vst v35;
	v8 =	vmovc v16  }
0x1aa: {  	v10 =	vmovc v17;
	v16 =	vld [tilespmem:s25+$0xA0];
	v44 =	vmul.f32 v39, v40;
	v40 =	vmul.f32 v38, v7;
	[tilespmem:s22+$0x50] =	vst v34;
	v7 =	vmov v19  }
0x1ab: {  	s24 =	sadd.s32 $0x2, s24;
	v17 =	vld [tilespmem:s25+$0xB0];
	v34 =	vmax.f32 v36, $1.000000020e-24;
	v36 =	vmul.f32 v38, v1;
	v38 =	vmul.f32 v38, v2;
	[tilespmem:s22+$0x60] =	vst v32;
	v1 =	vmovc v20  }
0x1ac: {  	p0 =	slt.u32 s24, $0x1BE;
	v35 =	vmovc v3;
	v2 =	vmovc v21;
	v19 =	vld [tilespmem:s25+$0xC0];
	v32 =	vbroadcast v34, $0xF;
	v34 =	vmul.f32 v44, v39;
	[tilespmem:s22+$0x70] =	vst v33;
	v33 =	vmov v24;
	s22 =	smov.u32 s21;
	s21 =	smov.u32 s23  }
0x1ad: {  	v43 =	vmovc v5;
	v5 =	vmovc v29;
	v3 =	vmov v25;
	s23 =	smov.u32 s25;
	v20 =	vld [tilespmem:s25+$0xD0];
	[tilespmem:s22+$0x80] =	vst v31;
	v31 =	vmov v0;
	v0 =	vmov v26  }
0x1ae: {  	v25 =	vmul.f32 v30, v30;
	v21 =	vld [tilespmem:s25+$0xE0];
	v24 =	vshra.s32 v32, $0x1;
	v32 =	vmul.f32 $5.000000000e-01, v32;
	[tilespmem:s22+$0x90] =	vst v41;
	v44 =	vmovc v6;
	v6 =	vmovc v28  }
0x1af: {  	v26 =	vmul.f32 v15, v15;
	v45 =	vld [tilespmem:s25+$0xF0];
	v28 =	vmul.f32 v16, v16;
	v41 =	vsub.s32 $0x5F3759DF, v24;
	[tilespmem:s22+$0xA0] =	vst v37;
	v37 =	vmovc v11  }
0x1b0: {  	v34 =	vsub.f32 $1.500000000e+00, v34;
	v11 =	vmovc v27;
	v46 =	vld [tilespmem:s25+$0x10];
	v29 =	vmul.f32 v17, v17;
	v47 =	vmul.f32 v41, v32;
	[tilespmem:s22+$0xB0] =	vst v42  }
0x1b1: {  	v24 =	vld [tilespmem:s25+$0x20];
	v27 =	vadd.f32 v28, v25;
	v28 =	vmul.f32 v19, v19;
	v42, _, _ =	vpop (xrf2);
	[tilespmem:s22+$0xC0] =	vst v40  }
0x1b2: {  	v25 =	vld [tilespmem:s25+$0x30];
	v29 =	vadd.f32 v29, v26;
	v40 =	vmul.f32 v20, v20;
	v47 =	vmul.f32 v41, v47;
	[tilespmem:s22+$0xD0] =	vst v36  }
0x1b3: {  	v36 =	vld [tilespmem:s25+$0x0];
	v27 =	vadd.f32 v28, v27;
	v48 =	vmul.f32 v21, v21;
	v28 =	vadd.f32 $0.0e+00, v42;
	[tilespmem:s22+$0xE0] =	vst v38  }
0x1b4: {  	v26 =	vld [tilespmem:s25+$0x40];
	v38 =	vadd.f32 v40, v29;
	v40 =	vmul.f32 v45, v45;
	v42 =	vsub.f32 $1.500000000e+00, v47  }
0x1b5: {  	v50 =	vmul.f32 v34, v39;
	v29 =	vld [tilespmem:s25+$0x50];
	v47 =	vmul.f32 v46, v46;
	v49 =	vmax.f32 v28, $1.000000020e-24  }
0x1b6: {  	v34 =	vadd.f32 v48, v27;
	v28 =	vld [tilespmem:s25+$0x60];
	v38 =	vadd.f32 v40, v38;
	v39 =	vmul.f32 v41, v42  }
0x1b7: {  	v40 =	vmul.f32 v24, v24;
	v27 =	vld [tilespmem:s25+$0x70];
	v41 =	vmul.f32 v25, v25  }
0x1b8: {  	v42 =	vmul.f32 v36, v36;
	v34 =	vadd.f32 v38, v34;
	v32 =	vmul.f32 v39, v32  }
0x1b9: {  	v38 =	vadd.f32 v41, v47;
	v41 =	vmul.f32 v26, v26;
	v47 =	vbroadcast v49, $0xF  }
0x1ba: {  	v42 =	vadd.f32 v40, v42;
	v48 =	vmul.f32 v29, v29;
	(xrf2) =	vadd.scan.msk.f32 $0xffff, v34;
	v32 =	vmul.f32 v32, v39  }
0x1bb: {  	v34 =	vmul.f32 v28, v28;
	v49 =	vshra.s32 v47, $0x1;
	v40 =	vmul.f32 $5.000000000e-01, v47  }
0x1bc: {  	v42 =	vadd.f32 v41, v42;
	v47 =	vmul.f32 v27, v27;
	v32 =	vsub.f32 $1.500000000e+00, v32  }
0x1bd: {  	v48 =	vadd.f32 v48, v38;
	v41 =	vsub.s32 $0x5F3759DF, v49;
	v49 =	vmul.f32 v50, v12;
	v12 =	vmovc v22;
	v22 =	vmovc v36  }
0x1be: {  	v36 =	vmul.f32 v41, v40;
	v34 =	vadd.f32 v34, v42;
	v38 =	vmul.f32 v32, v39  }
.Ltmp2:
0x1bf: {  	v32 =	vadd.f32 v47, v48;
	v39 =	vmul.f32 v50, v4;
	v42 =	vmul.f32 v50, v13;
	[tilespmem:s22+$0x0] =	vst v49;
	(pc) =	sbr.rel @p0 .LBB2_6-.Ltmp2, $4  }
0x1c0: {  	v4 =	vmovc v18;
	v18 =	vmovc v46;
	v48 =	vmul.f32 v41, v36;
	v47 =	vmul.f32 v38, v23;
	v23 =	vmov v45  }
0x1c1: {  	v36 =	vmul.f32 v50, v35;
	v35 =	vmul.f32 v50, v31;
	v45 =	vadd.f32 v32, v34;
	[tilespmem:s22+$0x10] =	vst v39  }
0x1c2: {  	v13 =	vmovc v33;
	v34 =	vmul.f32 v50, v43;
	v32 =	vmul.f32 v50, v44;
	v39 =	vsub.f32 $1.500000000e+00, v48;
	[tilespmem:s21+$0xF0] =	vst v47  }
0x1c3: {  	s25 =	sadd.s32 $0x100, s25;
	v33 =	vmul.f32 v50, v37;
	v31 =	vmul.f32 v38, v14;
	v14 =	vmovc v30;
	(xrf2) =	vadd.scan.msk.f32 $0xffff, v45;
	[tilespmem:s22+$0x20] =	vst v42  }
0x1c4: {  	v30, _, _ =	vpop (xrf2)  }
0x1c5: {  	v30 =	vadd.f32 $0.0e+00, v30;
	_ =	sdelay $0x1  }
0x1c6: {  	v30 =	vmax.f32 v30, $1.000000020e-24  }
0x1c7: {  	v30 =	vbroadcast v30, $0xF;
	_ =	sdelay $0x1  }
0x1c8: {  	v37 =	vshra.s32 v30, $0x1;
	v30 =	vmul.f32 $5.000000000e-01, v30  }
0x1c9: {  	v39 =	vmul.f32 v41, v39;
	v37 =	vsub.s32 $0x5F3759DF, v37  }
0x1ca: {  	[tilespmem:s22+$0x30] =	vst v36;
	v42 =	vmul.f32 v37, v30  }
0x1cb: {  	[tilespmem:s22+$0x40] =	vst v35;
	v54 =	vmul.f32 v39, v40  }
0x1cc: {  	v9 =	vmul.f32 v38, v9;
	[tilespmem:s22+$0x50] =	vst v34;
	v55, _, _ =	vpop (xrf2);
	v42 =	vmul.f32 v37, v42  }
0x1cd: {  	v8 =	vmul.f32 v38, v8;
	[tilespmem:s22+$0x60] =	vst v32;
	v56 =	vmul.f32 v54, v39;
	v34 =	vadd.f32 $0.0e+00, v55  }
0x1ce: {  	v10 =	vmul.f32 v38, v10;
	v7 =	vmul.f32 v38, v7;
	[tilespmem:s21+$0x80] =	vst v31;
	v53 =	vsub.f32 $1.500000000e+00, v42  }
0x1cf: {  	v1 =	vmul.f32 v38, v1;
	[tilespmem:s21+$0x90] =	vst v9;
	v31 =	vsub.f32 $1.500000000e+00, v56;
	v57 =	vmax.f32 v34, $1.000000020e-24  }
0x1d0: {  	[tilespmem:s21+$0xA0] =	vst v8;
	v9 =	vbroadcast v57, $0xF;
	v36 =	vmul.f32 v37, v53  }
0x1d1: {  	v2 =	vmul.f32 v38, v2;
	[tilespmem:s21+$0xB0] =	vst v10;
	v8 =	vmul.f32 v31, v39  }
0x1d2: {  	[tilespmem:s21+$0xC0] =	vst v7;
	v10 =	vshra.s32 v9, $0x1;
	v9 =	vmul.f32 $5.000000000e-01, v9;
	v30 =	vmul.f32 v36, v30  }
0x1d3: {  	[tilespmem:s21+$0xE0] =	vst v2;
	v2 =	vmul.f32 v8, v4;
	v7 =	vsub.s32 $0x5F3759DF, v10  }
0x1d4: {  	[tilespmem:s21+$0xD0] =	vst v1;
	v1 =	vmul.f32 v7, v9;
	v30 =	vmul.f32 v30, v36  }
0x1d5: {  	[tilespmem:s22+$0x70] =	vst v33;
	v0 =	vmul.f32 v8, v0  }
0x1d6: {  	[tilespmem:s21+$0x10] =	vst v2;
	v2 =	vmul.f32 v8, v3;
	v1 =	vmul.f32 v7, v1;
	v30 =	vsub.f32 $1.500000000e+00, v30  }
0x1d7: {  	v3 =	vmul.f32 v8, v5;
	[tilespmem:s21+$0x40] =	vst v0;
	v0 =	vmul.f32 v8, v11  }
0x1d8: {  	[tilespmem:s21+$0x30] =	vst v2;
	v10 =	vmul.f32 v8, v12;
	v1 =	vsub.f32 $1.500000000e+00, v1;
	v12 =	vmul.f32 v30, v36  }
0x1d9: {  	[tilespmem:s21+$0x50] =	vst v3  }
0x1da: {  	[tilespmem:s21+$0x70] =	vst v0;
	v1 =	vmul.f32 v7, v1;
	v4 =	vmul.f32 v12, v23  }
0x1db: {  	v2 =	vmul.f32 v8, v6;
	[tilespmem:s21+$0x0] =	vst v10  }
0x1dc: {  	v10 =	vmul.f32 v8, v13;
	[tilespmem:s23+$0xF0] =	vst v4;
	v4 =	vmul.f32 v1, v9  }
0x1dd: {  	[tilespmem:s21+$0x60] =	vst v2;
	v3 =	vmul.f32 v12, v14  }
0x1de: {  	[tilespmem:s21+$0x20] =	vst v10;
	v2 =	vmul.f32 v12, v15;
	v4 =	vmul.f32 v4, v1  }
0x1df: {  	v0 =	vmul.f32 v12, v16;
	[tilespmem:s23+$0x80] =	vst v3  }
0x1e0: {  	v3 =	vmul.f32 v12, v17;
	[tilespmem:s23+$0x90] =	vst v2;
	v2 =	vsub.f32 $1.500000000e+00, v4  }
0x1e1: {  	[tilespmem:s23+$0xA0] =	vst v0;
	v0 =	vmul.f32 v12, v20  }
0x1e2: {  	[tilespmem:s23+$0xB0] =	vst v3;
	v4 =	vmul.f32 v12, v19;
	v1 =	vmul.f32 v2, v1  }
0x1e3: {  	[tilespmem:s23+$0xD0] =	vst v0;
	v2 =	vmul.f32 v12, v21  }
0x1e4: {  	[tilespmem:s23+$0xC0] =	vst v4;
	v0 =	vmul.f32 v1, v22  }
0x1e5: {  	[tilespmem:s23+$0xE0] =	vst v2;
	v2 =	vmul.f32 v1, v18  }
0x1e6: {  	v3 =	vmul.f32 v1, v26;
	[tilespmem:s23+$0x0] =	vst v0  }
0x1e7: {  	v0 =	vmul.f32 v1, v24;
	[tilespmem:s23+$0x10] =	vst v2  }
0x1e8: {  	v2 =	vmul.f32 v1, v25;
	[tilespmem:s23+$0x40] =	vst v3  }
0x1e9: {  	[tilespmem:s23+$0x20] =	vst v0;
	v0 =	vmul.f32 v1, v29  }
0x1ea: {  	[tilespmem:s23+$0x30] =	vst v2;
	v2 =	vmul.f32 v1, v28  }
0x1eb: {  	v1 =	vmul.f32 v1, v27;
	[tilespmem:s23+$0x50] =	vst v0  }
0x1ec: {  	[tilespmem:s23+$0x60] =	vst v2  }
0x1ed: {  	s22 =	simm.s32 $0xE200;
	[tilespmem:s23+$0x70] =	vst v1  }
0x1ee: {  	[hbm4b:s8+s3] =	stream.linear.scatter [tilespmem:s17], [sflag:$0x3], $0x2000, $0x38;
	[tilespmem:$0x10200] =	vst v63  }
0x1ef: {  	v16 =	vld [tilespmem:s22+$0x80]  }
0x1f0: {  	v17 =	vld [tilespmem:s22+$0x90]  }
0x1f1: {  	v21 =	vld [tilespmem:s22+$0xA0]  }
0x1f2: {  	v19 =	vld [tilespmem:s22+$0xB0]  }
0x1f3: {  	v20 =	vld [tilespmem:s22+$0xC0]  }
0x1f4: {  	v18 =	vld [tilespmem:s22+$0xD0]  }
0x1f5: {  	v22 =	vld [tilespmem:s22+$0xE0]  }
0x1f6: {  	v15 =	vld [tilespmem:s22+$0xF0];
	v0 =	vmul.f32 v16, v16;
	v1 =	vmul.f32 v21, v21  }
0x1f7: {  	v2 =	vmul.f32 v17, v17;
	v3 =	vmul.f32 v19, v19  }
0x1f8: {  	v0 =	vadd.f32 v1, v0;
	v1 =	vmul.f32 v20, v20  }
0x1f9: {  	v2 =	vadd.f32 v3, v2;
	v3 =	vmul.f32 v18, v18  }
0x1fa: {  	v35 =	vld [tilespmem:s22+$0x10];
	v0 =	vadd.f32 v1, v0  }
0x1fb: {  	v36 =	vld [tilespmem:s22+$0x20];
	v1 =	vmul.f32 v22, v22;
	v2 =	vadd.f32 v3, v2;
	v3 =	vmul.f32 v15, v15  }
0x1fc: {  	v38 =	vld [tilespmem:s22+$0x0]  }
0x1fd: {  	v31 =	vld [tilespmem:s22+$0x30];
	v0 =	vadd.f32 v1, v0;
	v1 =	vadd.f32 v3, v2  }
0x1fe: {  	v34 =	vld [tilespmem:s22+$0x40]  }
0x1ff: {  	v32 =	vld [tilespmem:s22+$0x50];
	v0 =	vadd.f32 v1, v0  }
0x200: {  	v33 =	vld [tilespmem:s22+$0x60]  }
0x201: {  	v30 =	vld [tilespmem:s22+$0x70];
	v2 =	vmul.f32 v36, v36;
	v3 =	vmul.f32 v38, v38;
	(xrf2) =	vadd.scan.msk.f32 $0xffff, v0  }
0x202: {  	v1 =	vmul.f32 v31, v31;
	v0 =	vmul.f32 v35, v35  }
0x203: {  	v2 =	vadd.f32 v2, v3  }
0x204: {  	v3 =	vmul.f32 v32, v32;
	v0 =	vadd.f32 v1, v0;
	v1 =	vmul.f32 v34, v34  }
0x205: {  	v4 =	vmul.f32 v33, v33  }
0x206: {  	v1 =	vadd.f32 v1, v2;
	v2 =	vmul.f32 v30, v30;
	v0 =	vadd.f32 v3, v0  }
0x207: {  	s21 =	simm.s32 $0xE300  }
0x208: {  	v37 =	vld [tilespmem:s21+$0x80];
	v1 =	vadd.f32 v4, v1;
	v0 =	vadd.f32 v2, v0  }
0x209: {  	v9 =	vld [tilespmem:s21+$0x90]  }
0x20a: {  	v8 =	vld [tilespmem:s21+$0xA0];
	v0 =	vadd.f32 v0, v1  }
0x20b: {  	v10 =	vld [tilespmem:s21+$0xB0];
	v2, _, _ =	vpop (xrf2)  }
0x20c: {  	v7 =	vld [tilespmem:s21+$0xC0];
	(xrf2) =	vadd.scan.msk.f32 $0xffff, v0;
	v1 =	vadd.f32 $0.0e+00, v2  }
0x20d: {  	v2 =	vld [tilespmem:s21+$0xE0]  }
0x20e: {  	v0 =	vmax.f32 v1, $1.000000020e-24;
	v1 =	vld [tilespmem:s21+$0xD0]  }
0x20f: {  	v6 =	vmul.f32 v9, v9;
	v0 =	vbroadcast v0, $0xF  }
0x210: {  	v3 =	vmul.f32 v37, v37;
	v4 =	vmul.f32 v8, v8  }
0x211: {  	v39 =	vld [tilespmem:s21+$0xF0];
	v11 =	vmul.f32 v10, v10;
	v5 =	vshra.s32 v0, $0x1;
	v14 =	vmul.f32 $5.000000000e-01, v0  }
0x212: {  	v13 =	vld [tilespmem:s21+$0x20];
	v0 =	vadd.f32 v4, v3;
	v3 =	vmul.f32 v7, v7;
	v25 =	vmul.f32 v2, v2  }
0x213: {  	v4 =	vld [tilespmem:s21+$0x10];
	v23 =	vsub.s32 $0x5F3759DF, v5;
	v5 =	vadd.f32 v11, v6;
	v6 =	vmul.f32 v1, v1  }
0x214: {  	v11 =	vmul.f32 v23, v14;
	v24 =	vadd.f32 v3, v0;
	v3 =	vld [tilespmem:s21+$0x30]  }
0x215: {  	v5 =	vadd.f32 v6, v5  }
0x216: {  	v12 =	vld [tilespmem:s21+$0x0];
	v6 =	vmul.f32 v39, v39;
	v11 =	vmul.f32 v23, v11;
	v24 =	vadd.f32 v25, v24;
	v25, _, _ =	vpop (xrf2)  }
0x217: {  	v0 =	vld [tilespmem:s21+$0x40];
	v25 =	vadd.f32 $0.0e+00, v25  }
0x218: {  	v28 =	vmul.f32 v13, v13;
	v6 =	vadd.f32 v6, v5;
	v11 =	vsub.f32 $1.500000000e+00, v11  }
0x219: {  	v26 =	vmul.f32 v4, v4;
	v5 =	vld [tilespmem:s21+$0x50];
	v27 =	vmul.f32 v3, v3  }
0x21a: {  	v25 =	vmax.f32 v25, $1.000000020e-24;
	v24 =	vadd.f32 v6, v24;
	v6 =	vld [tilespmem:s21+$0x60];
	v23 =	vmul.f32 v23, v11  }
0x21b: {  	v29 =	vmul.f32 v12, v12;
	v11 =	vld [tilespmem:s21+$0x70];
	v25 =	vbroadcast v25, $0xF  }
0x21c: {  	(xrf2) =	vadd.scan.msk.f32 $0xffff, v24;
	v14 =	vmul.f32 v23, v14;
	v24 =	vadd.f32 v27, v26;
	v26 =	vmul.f32 v0, v0  }
0x21d: {  	v27 =	vadd.f32 v28, v29;
	v29 =	vshra.s32 v25, $0x1;
	v25 =	vmul.f32 $5.000000000e-01, v25  }
0x21e: {  	v28 =	vmul.f32 v5, v5;
	v14 =	vmul.f32 v14, v23  }
0x21f: {  	v26 =	vadd.f32 v26, v27;
	v27 =	vsub.s32 $0x5F3759DF, v29;
	v58 =	vmul.f32 v6, v6  }
0x220: {  	v29 =	vmul.f32 v11, v11;
	v24 =	vadd.f32 v28, v24;
	v14 =	vsub.f32 $1.500000000e+00, v14  }
0x221: {  	v28 =	vmul.f32 v27, v25  }
0x222: {  	s23 =	simm.s32 $0xE400;
	v26 =	vadd.f32 v58, v26;
	v24 =	vadd.f32 v29, v24;
	v29 =	vmul.f32 v14, v23  }
0x223: {  	v28 =	vmul.f32 v27, v28;
	v14 =	vld [tilespmem:s23+$0x80]  }
0x224: {  	v23 =	vadd.f32 v24, v26;
	v40 =	vmul.f32 v29, v15;
	v15 =	vld [tilespmem:s23+$0x90]  }
0x225: {  	v24 =	vsub.f32 $1.500000000e+00, v28;
	v41 =	vmul.f32 v29, v16;
	v16 =	vld [tilespmem:s23+$0xA0];
	v42 =	vmul.f32 v29, v17  }
0x226: {  	v43 =	vmul.f32 v29, v21;
	v17 =	vld [tilespmem:s23+$0xB0];
	v44 =	vmul.f32 v29, v19;
	v26, _, _ =	vpop (xrf2)  }
0x227: {  	v19 =	vld [tilespmem:s23+$0xC0];
	v45 =	vmul.f32 v29, v20;
	v27 =	vmul.f32 v27, v24;
	(xrf2) =	vadd.scan.msk.f32 $0xffff, v23;
	v23 =	vadd.f32 $0.0e+00, v26  }
0x228: {  	v20 =	vld [tilespmem:s23+$0xD0];
	v46 =	vmul.f32 v29, v18;
	v52 =	vmul.f32 v29, v22  }
0x229: {  	v22 =	vld [tilespmem:s23+$0x0];
	v21 =	vmul.f32 v27, v25;
	v25 =	vmul.f32 v14, v14;
	v23 =	vmax.f32 v23, $1.000000020e-24  }
0x22a: {  	v24 =	vld [tilespmem:s23+$0x20];
	v48 =	vmul.f32 v16, v16;
	v23 =	vbroadcast v23, $0xF  }
0x22b: {  	v26 =	vmul.f32 v21, v27;
	v21 =	vld [tilespmem:s23+$0xE0];
	v28 =	vmul.f32 v15, v15  }
0x22c: {  	v29 =	vadd.f32 v48, v25;
	v25 =	vld [tilespmem:s23+$0x30];
	v18 =	vshra.s32 v23, $0x1;
	v47 =	vmul.f32 $5.000000000e-01, v23  }
0x22d: {  	v50 =	vmul.f32 v17, v17;
	v59 =	vmul.f32 v19, v19;
	v23 =	vld [tilespmem:s23+$0xF0];
	v49 =	vsub.s32 $0x5F3759DF, v18  }
0x22e: {  	v54 =	vmul.f32 v20, v20;
	v53 =	vsub.f32 $1.500000000e+00, v26;
	v18 =	vld [tilespmem:s23+$0x10];
	v51 =	vmul.f32 v49, v47  }
0x22f: {  	v63 =	vmul.f32 v22, v22;
	v62 =	vmul.f32 v24, v24;
	v28 =	vadd.f32 v50, v28  }
0x230: {  	v53 =	vmul.f32 v53, v27;
	v60 =	vmul.f32 v49, v51  }
0x231: {  	v48 =	vadd.f32 v59, v29;
	v54 =	vadd.f32 v54, v28;
	v55 =	vmul.f32 v21, v21  }
0x232: {  	v26 =	vld [tilespmem:s23+$0x40];
	v35 =	vmul.f32 v53, v35;
	v56 =	vmul.f32 v23, v23;
	v50 =	vsub.f32 $1.500000000e+00, v60  }
0x233: {  	v29 =	vld [tilespmem:s23+$0x50];
	v27 =	vmul.f32 v25, v25;
	v57 =	vmul.f32 v18, v18  }
0x234: {  	v28 =	vld [tilespmem:s23+$0x60];
	v61, _, _ =	vpop (xrf2);
	v48 =	vadd.f32 v55, v48;
	v49 =	vmul.f32 v49, v50;
	v50 =	vadd.f32 v56, v54  }
0x235: {  	v51 =	vadd.f32 $0.0e+00, v61;
	v59 =	vadd.f32 v27, v57  }
0x236: {  	[tilespmem:s22+$0x10] =	vst v35;
	v35 =	vmul.f32 v53, v34;
	v27 =	vld [tilespmem:s23+$0x70];
	v54 =	vadd.f32 v62, v63;
	v62 =	vadd.f32 v50, v48  }
0x237: {  	[tilespmem:s22+$0xF0] =	vst v40;
	v60 =	vmul.f32 v26, v26;
	v58 =	vmax.f32 v51, $1.000000020e-24;
	v47 =	vmul.f32 v49, v47  }
0x238: {  	[tilespmem:s22+$0x80] =	vst v41;
	v61 =	vmul.f32 v29, v29;
	v40 =	vbroadcast v58, $0xF;
	(xrf2) =	vadd.scan.msk.f32 $0xffff, v62  }
0x239: {  	[tilespmem:s22+$0x90] =	vst v42;
	v55 =	vmul.f32 v28, v28;
	v63 =	vadd.f32 v60, v54;
	v47 =	vmul.f32 v47, v49  }
0x23a: {  	[tilespmem:s22+$0xA0] =	vst v43;
	v54 =	vadd.f32 v61, v59;
	v56 =	vshra.s32 v40, $0x1;
	v40 =	vmul.f32 $5.000000000e-01, v40  }
0x23b: {  	[tilespmem:s22+$0xB0] =	vst v44;
	v41 =	vsub.s32 $0x5F3759DF, v56;
	v58 =	vmul.f32 v27, v27;
	v57 =	vsub.f32 $1.500000000e+00, v47  }
0x23c: {  	[tilespmem:s22+$0xC0] =	vst v45;
	v59 =	vmul.f32 v53, v38;
	v60 =	vmul.f32 v41, v40  }
0x23d: {  	[tilespmem:s22+$0xD0] =	vst v46;
	v43 =	vadd.f32 v55, v63;
	v45 =	vadd.f32 v58, v54;
	v38 =	vmul.f32 v57, v49  }
0x23e: {  	[tilespmem:s22+$0xE0] =	vst v52;
	v61 =	vmul.f32 v53, v36;
	v62 =	vmul.f32 v41, v60  }
0x23f: {  	v34 =	vmul.f32 v53, v32;
	[tilespmem:s22+$0x0] =	vst v59;
	v43 =	vadd.f32 v45, v43;
	v63 =	vmul.f32 v38, v39  }
0x240: {  	v32 =	vmul.f32 v53, v33;
	v36 =	vmul.f32 v53, v31;
	[tilespmem:s22+$0x20] =	vst v61;
	v39 =	vsub.f32 $1.500000000e+00, v62  }
0x241: {  	s24 =	simm.s32 $0x1C4;
	s25 =	simm.s32 $0xE500;
	v33 =	vmul.f32 v53, v30;
	v31 =	vmul.f32 v38, v37;
	(xrf2) =	vadd.scan.msk.f32 $0xffff, v43;
	[tilespmem:s21+$0xF0] =	vst v63  }
.LBB2_8:
0x242: {  	v30 =	vld [tilespmem:s25+$0x80];
	v37, _, _ =	vpop (xrf2);
	v39 =	vmul.f32 v41, v39;
	v41 =	vmul.f32 v38, v9;
	[tilespmem:s22+$0x30] =	vst v36;
	v9 =	vmov v15  }
0x243: {  	v42 =	vmul.f32 v38, v10;
	v15 =	vld [tilespmem:s25+$0x90];
	v36 =	vadd.f32 $0.0e+00, v37;
	v37 =	vmul.f32 v38, v8;
	[tilespmem:s22+$0x40] =	vst v35;
	v8 =	vmovc v16  }
0x244: {  	v10 =	vmovc v17;
	v16 =	vld [tilespmem:s25+$0xA0];
	v44 =	vmul.f32 v39, v40;
	v40 =	vmul.f32 v38, v7;
	[tilespmem:s22+$0x50] =	vst v34;
	v7 =	vmov v19  }
0x245: {  	s24 =	sadd.s32 $0x2, s24;
	v17 =	vld [tilespmem:s25+$0xB0];
	v34 =	vmax.f32 v36, $1.000000020e-24;
	v36 =	vmul.f32 v38, v1;
	v38 =	vmul.f32 v38, v2;
	[tilespmem:s22+$0x60] =	vst v32;
	v1 =	vmovc v20  }
0x246: {  	p0 =	slt.u32 s24, $0x1FE;
	v35 =	vmovc v3;
	v2 =	vmovc v21;
	v19 =	vld [tilespmem:s25+$0xC0];
	v32 =	vbroadcast v34, $0xF;
	v34 =	vmul.f32 v44, v39;
	[tilespmem:s22+$0x70] =	vst v33;
	v33 =	vmov v24;
	s22 =	smov.u32 s21;
	s21 =	smov.u32 s23  }
0x247: {  	v43 =	vmovc v5;
	v5 =	vmovc v29;
	v3 =	vmov v25;
	s23 =	smov.u32 s25;
	v20 =	vld [tilespmem:s25+$0xD0];
	[tilespmem:s22+$0x80] =	vst v31;
	v31 =	vmov v0;
	v0 =	vmov v26  }
0x248: {  	v25 =	vmul.f32 v30, v30;
	v21 =	vld [tilespmem:s25+$0xE0];
	v24 =	vshra.s32 v32, $0x1;
	v32 =	vmul.f32 $5.000000000e-01, v32;
	[tilespmem:s22+$0x90] =	vst v41;
	v44 =	vmovc v6;
	v6 =	vmovc v28  }
0x249: {  	v26 =	vmul.f32 v15, v15;
	v45 =	vld [tilespmem:s25+$0xF0];
	v28 =	vmul.f32 v16, v16;
	v41 =	vsub.s32 $0x5F3759DF, v24;
	[tilespmem:s22+$0xA0] =	vst v37;
	v37 =	vmovc v11  }
0x24a: {  	v34 =	vsub.f32 $1.500000000e+00, v34;
	v11 =	vmovc v27;
	v46 =	vld [tilespmem:s25+$0x10];
	v29 =	vmul.f32 v17, v17;
	v47 =	vmul.f32 v41, v32;
	[tilespmem:s22+$0xB0] =	vst v42  }
0x24b: {  	v24 =	vld [tilespmem:s25+$0x20];
	v27 =	vadd.f32 v28, v25;
	v28 =	vmul.f32 v19, v19;
	v42, _, _ =	vpop (xrf2);
	[tilespmem:s22+$0xC0] =	vst v40  }
0x24c: {  	v25 =	vld [tilespmem:s25+$0x30];
	v29 =	vadd.f32 v29, v26;
	v40 =	vmul.f32 v20, v20;
	v47 =	vmul.f32 v41, v47;
	[tilespmem:s22+$0xD0] =	vst v36  }
0x24d: {  	v36 =	vld [tilespmem:s25+$0x0];
	v27 =	vadd.f32 v28, v27;
	v48 =	vmul.f32 v21, v21;
	v28 =	vadd.f32 $0.0e+00, v42;
	[tilespmem:s22+$0xE0] =	vst v38  }
0x24e: {  	v26 =	vld [tilespmem:s25+$0x40];
	v38 =	vadd.f32 v40, v29;
	v40 =	vmul.f32 v45, v45;
	v42 =	vsub.f32 $1.500000000e+00, v47  }
0x24f: {  	v50 =	vmul.f32 v34, v39;
	v29 =	vld [tilespmem:s25+$0x50];
	v47 =	vmul.f32 v46, v46;
	v49 =	vmax.f32 v28, $1.000000020e-24  }
0x250: {  	v34 =	vadd.f32 v48, v27;
	v28 =	vld [tilespmem:s25+$0x60];
	v38 =	vadd.f32 v40, v38;
	v39 =	vmul.f32 v41, v42  }
0x251: {  	v40 =	vmul.f32 v24, v24;
	v27 =	vld [tilespmem:s25+$0x70];
	v41 =	vmul.f32 v25, v25  }
0x252: {  	v42 =	vmul.f32 v36, v36;
	v34 =	vadd.f32 v38, v34;
	v32 =	vmul.f32 v39, v32  }
0x253: {  	v38 =	vadd.f32 v41, v47;
	v41 =	vmul.f32 v26, v26;
	v47 =	vbroadcast v49, $0xF  }
0x254: {  	v42 =	vadd.f32 v40, v42;
	v48 =	vmul.f32 v29, v29;
	(xrf2) =	vadd.scan.msk.f32 $0xffff, v34;
	v32 =	vmul.f32 v32, v39  }
0x255: {  	v34 =	vmul.f32 v28, v28;
	v49 =	vshra.s32 v47, $0x1;
	v40 =	vmul.f32 $5.000000000e-01, v47  }
0x256: {  	v42 =	vadd.f32 v41, v42;
	v47 =	vmul.f32 v27, v27;
	v32 =	vsub.f32 $1.500000000e+00, v32  }
0x257: {  	v48 =	vadd.f32 v48, v38;
	v41 =	vsub.s32 $0x5F3759DF, v49;
	v49 =	vmul.f32 v50, v12;
	v12 =	vmovc v22;
	v22 =	vmovc v36  }
0x258: {  	v36 =	vmul.f32 v41, v40;
	v34 =	vadd.f32 v34, v42;
	v38 =	vmul.f32 v32, v39  }
.Ltmp3:
0x259: {  	v32 =	vadd.f32 v47, v48;
	v39 =	vmul.f32 v50, v4;
	v42 =	vmul.f32 v50, v13;
	[tilespmem:s22+$0x0] =	vst v49;
	(pc) =	sbr.rel @p0 .LBB2_8-.Ltmp3, $4  }
0x25a: {  	v4 =	vmovc v18;
	v18 =	vmovc v46;
	v48 =	vmul.f32 v41, v36;
	v47 =	vmul.f32 v38, v23;
	v23 =	vmov v45  }
0x25b: {  	v36 =	vmul.f32 v50, v35;
	v35 =	vmul.f32 v50, v31;
	v45 =	vadd.f32 v32, v34;
	[tilespmem:s22+$0x10] =	vst v39  }
0x25c: {  	v13 =	vmovc v33;
	v34 =	vmul.f32 v50, v43;
	v32 =	vmul.f32 v50, v44;
	v39 =	vsub.f32 $1.500000000e+00, v48;
	[tilespmem:s21+$0xF0] =	vst v47  }
0x25d: {  	s25 =	sadd.s32 $0x100, s25;
	v33 =	vmul.f32 v50, v37;
	v31 =	vmul.f32 v38, v14;
	v14 =	vmovc v30;
	(xrf2) =	vadd.scan.msk.f32 $0xffff, v45;
	[tilespmem:s22+$0x20] =	vst v42  }
0x25e: {  	_ = 	snop  }
0x25f: {  	v30, _, _ =	vpop (xrf2)  }
0x260: {  	v30 =	vadd.f32 $0.0e+00, v30;
	_ =	sdelay $0x1  }
0x261: {  	v30 =	vmax.f32 v30, $1.000000020e-24  }
0x262: {  	v30 =	vbroadcast v30, $0xF  }
0x263: {  	v39 =	vmul.f32 v41, v39  }
0x264: {  	[tilespmem:s22+$0x30] =	vst v36;
	v37 =	vshra.s32 v30, $0x1;
	v30 =	vmul.f32 $5.000000000e-01, v30  }
0x265: {  	[tilespmem:s22+$0x40] =	vst v35;
	v59 =	vmul.f32 v39, v40;
	v37 =	vsub.s32 $0x5F3759DF, v37  }
0x266: {  	[tilespmem:s22+$0x50] =	vst v34;
	v42 =	vmul.f32 v37, v30;
	v60, _, _ =	vpop (xrf2)  }
0x267: {  	v9 =	vmul.f32 v38, v9;
	[tilespmem:s22+$0x60] =	vst v32;
	v61 =	vmul.f32 v59, v39;
	v34 =	vadd.f32 $0.0e+00, v60  }
0x268: {  	v8 =	vmul.f32 v38, v8;
	[tilespmem:s22+$0x70] =	vst v33;
	v42 =	vmul.f32 v37, v42  }
0x269: {  	v10 =	vmul.f32 v38, v10;
	[tilespmem:s21+$0x80] =	vst v31;
	v62 =	vsub.f32 $1.500000000e+00, v61;
	v63 =	vmax.f32 v34, $1.000000020e-24  }
0x26a: {  	v7 =	vmul.f32 v38, v7;
	[tilespmem:s21+$0x90] =	vst v9;
	v58 =	vsub.f32 $1.500000000e+00, v42;
	v33 =	vbroadcast v63, $0xF  }
0x26b: {  	v1 =	vmul.f32 v38, v1;
	[tilespmem:s21+$0xA0] =	vst v8;
	v34 =	vmul.f32 v62, v39  }
0x26c: {  	[tilespmem:s21+$0xB0] =	vst v10;
	v36 =	vmul.f32 v37, v58;
	v35 =	vshra.s32 v33, $0x1;
	v9 =	vmul.f32 $5.000000000e-01, v33  }
0x26d: {  	v2 =	vmul.f32 v38, v2;
	[tilespmem:s21+$0xC0] =	vst v7;
	v38 =	vmul.f32 v34, v12;
	v37 =	vsub.s32 $0x5F3759DF, v35  }
0x26e: {  	[tilespmem:s21+$0xD0] =	vst v1;
	v30 =	vmul.f32 v36, v30;
	v39 =	vmul.f32 v37, v9  }
0x26f: {  	[tilespmem:s21+$0xE0] =	vst v2;
	v41 =	vmul.f32 v34, v4;
	v43 =	vmul.f32 v34, v13  }
0x270: {  	[tilespmem:s21+$0x0] =	vst v38;
	v30 =	vmul.f32 v30, v36;
	v1 =	vmul.f32 v37, v39  }
0x271: {  	v44 =	vmul.f32 v34, v3;
	[tilespmem:s21+$0x10] =	vst v41  }
0x272: {  	v0 =	vmul.f32 v34, v0;
	[tilespmem:s21+$0x20] =	vst v43;
	v30 =	vsub.f32 $1.500000000e+00, v30;
	v1 =	vsub.f32 $1.500000000e+00, v1  }
0x273: {  	v45 =	vmul.f32 v34, v5;
	v46 =	vmul.f32 v34, v6;
	[tilespmem:s21+$0x30] =	vst v44  }
0x274: {  	[tilespmem:s21+$0x40] =	vst v0;
	v40 =	vmul.f32 v30, v36;
	v1 =	vmul.f32 v37, v1  }
0x275: {  	v47 =	vmul.f32 v34, v11;
	[tilespmem:s21+$0x50] =	vst v45  }
0x276: {  	[tilespmem:s21+$0x60] =	vst v46;
	v42 =	vmul.f32 v40, v23;
	v48 =	vmul.f32 v1, v9  }
0x277: {  	[tilespmem:s21+$0x70] =	vst v47;
	v49 =	vmul.f32 v40, v14  }
0x278: {  	v50 =	vmul.f32 v40, v15;
	[tilespmem:s23+$0xF0] =	vst v42;
	v4 =	vmul.f32 v48, v1  }
0x279: {  	v51 =	vmul.f32 v40, v16;
	[tilespmem:s23+$0x80] =	vst v49  }
0x27a: {  	v52 =	vmul.f32 v40, v17;
	[tilespmem:s23+$0x90] =	vst v50;
	v53 =	vsub.f32 $1.500000000e+00, v4  }
0x27b: {  	v54 =	vmul.f32 v40, v19;
	[tilespmem:s23+$0xA0] =	vst v51  }
0x27c: {  	v55 =	vmul.f32 v40, v20;
	[tilespmem:s23+$0xB0] =	vst v52;
	v1 =	vmul.f32 v53, v1  }
0x27d: {  	v56 =	vmul.f32 v40, v21;
	[tilespmem:s23+$0xC0] =	vst v54  }
0x27e: {  	[tilespmem:s23+$0xD0] =	vst v55;
	v57 =	vmul.f32 v1, v22  }
0x27f: {  	[tilespmem:s23+$0xE0] =	vst v56;
	v58 =	vmul.f32 v1, v18  }
0x280: {  	v59 =	vmul.f32 v1, v24;
	[tilespmem:s23+$0x0] =	vst v57  }
0x281: {  	v60 =	vmul.f32 v1, v25;
	[tilespmem:s23+$0x10] =	vst v58  }
0x282: {  	v61 =	vmul.f32 v1, v26;
	[tilespmem:s23+$0x20] =	vst v59  }
0x283: {  	v62 =	vmul.f32 v1, v29;
	[tilespmem:s23+$0x30] =	vst v60  }
0x284: {  	v63 =	vmul.f32 v1, v28;
	[tilespmem:s23+$0x40] =	vst v61  }
0x285: {  	v1 =	vmul.f32 v1, v27;
	[tilespmem:s23+$0x50] =	vst v62  }
0x286: {  	[tilespmem:s23+$0x60] =	vst v63  }
0x287: {  	[tilespmem:s23+$0x70] =	vst v1  }
0x288: {  	[hbm4b:s9+s3] =	stream.linear.scatter [tilespmem:s18], [sflag:$0x3], $0x2000, $0x38;
	[tilespmem:$0x10200] =	vst v63  }
0x289: {  	_ =	swait.ge [sflag:s19], $0x8000  }
0x28a: {  	[sflag:s19] =	ssyncset.done $0x0  }
0x28b: {  	[sflag:s19] =	ssyncadd.s32 $0xFFFF8000  }
0x28c: {  	_ =	swait.ge [sflag:s19], $0x4000  }
0x28d: {  	[sflag:s19] =	ssyncset.done $0x0  }
0x28e: {  	s20 =	sadd.s32 $0x1, s20;
	[sflag:s19] =	ssyncadd.s32 $0xFFFFC000  }
0x28f: {  	p0 =	sne.s32 s20, s10;
	_ =	swait.ge [sflag:s19], $0x2000  }
.Ltmp4:
0x290: {  	[sflag:s19] =	ssyncset.done $0x0;
	(pc) =	sbr.rel @p0 .LBB2_1-.Ltmp4, $4  }
0x291: {  	[sflag:s19] =	ssyncadd.s32 $0xFFFFE000  }
0x292: {  	_ =	swait.ge [sflag:s19], $0x2000  }
0x293: {  	[sflag:s19] =	ssyncset.done $0x0  }
0x294: {  	[sflag:s19] =	ssyncadd.s32 $0xFFFFE000  }
0x295: {  	_ =	sfence.sel $0x180000  }
0x296: {  	[bflag:$0x0] =	sbarrier.arrive $0xFFFF  }
0x297: {  	p0 =	sne.s32 s2, $0x0;
	_ =	strace $0x90000047  }
0x298: {  	s0 =	sadd.s32 @!p0 $0x100000, s0;
	[bflag:$0x2] =	sbarrier.arrive $0xFFFF  }
0x299: {  	[sflag:s0] =	ssyncadd.tile.s32 @!p0 $0x1;
	_ =	shalt  }
.Lfunc_end2:
_tile_overlayer_lowered:
.L_overlay_start_2:
0x29a: {  	(tag) =	ssettag $0x2  }
0x29b: {  	s0 =	rddreg [dreg:$0x0];
	s2 =	stileid.u32  }
0x29c: {  	s1 =	rddreg [dreg:$0x1];
	p0 =	sne.s32 s2, $0x0  }
0x29d: {  	s3 =	rddreg [dreg:$0x2];
	[bflag:$0x3] =	sbarrier.arrive $0xFFFF;
	s2 =	simm.s32 @!p0 $0x1C04  }
0x29e: {  	[timem:s3], [sflag:s2] =	dma.local @!p0 [hbm:s0], s1  }
0x29f: {  	s0 =	simm.s32 @!p0 $0x4  }
0x2a0: {  	_ =	swait.ge @!p0 [sflag:s0], s1  }
0x2a1: {  	s1 =	ssub.s32 @!p0 $0x0, s1;
	[sflag:s0] =	ssyncset.done @!p0 $0x0  }
0x2a2: {  	[sflag:s0] =	ssyncadd.s32 @!p0 s1  }
0x2a3: {  	[bflag:$0x3] =	sbarrier.arrive $0xFFFF  }
0x2a4: {  	_ =	shalt  }

</sc_bundles>
